<compile_context>
chip_gen: v7x
topology: tpu7x:2x2x1
jax: 0.10.2.dev20260603
libtpu: 0.0.44.dev20260713+nightly
codegen_flags: <defaults>
</compile_context>

<pallas_src>
import functools

import jax
import jax.numpy as jnp
from jax import lax
from jax.experimental import pallas as pl
from jax.experimental.pallas import tpu as pltpu
from jax.experimental.pallas import tpu_sc as plsc

B, C, H, W = 16, 16, 128, 128
N = C * H * W
TOTAL = B * N
AC_LEN = 1000

NC, NS, LANES = 2, 16, 16
NW = NC * NS
SC_BATCHES = 16
SC_PER_WORKER = SC_BATCHES * N // NW
CHUNK = 16384
NCHUNK = SC_PER_WORKER // CHUNK
NGROUP = NCHUNK // 2
WORKERS_PER_BATCH = NW // SC_BATCHES


def _babylonian_sqrt(x):
    y = jnp.full(x.shape, jnp.float32(1.0))
    for _ in range(15):
        y = jnp.float32(0.5) * (y + x / y)
    return y


def _sc_body(noise_hbm, xt_hbm, ts_hbm, ac_hbm, out_hbm,
             ts_v, ac_v, nb0, xb0, ob0, nb1, xb1, ob1,
             si0, si1, so0, so1):
    wid = lax.axis_index("s") * NC + lax.axis_index("c")
    base = wid * SC_PER_WORKER
    b = wid // WORKERS_PER_BATCH

    pltpu.sync_copy(ts_hbm, ts_v)
    pltpu.sync_copy(ac_hbm, ac_v.at[pl.ds(0, AC_LEN)])
    ts_pair = ts_v[pl.ds(2 * b, LANES)]
    t_b = ts_pair[0] | ts_pair[1]
    a_scalar = ac_v[pl.ds(t_b, LANES)][0]
    a = jnp.full((LANES,), a_scalar, dtype=jnp.float32)
    sqrt_a = _babylonian_sqrt(a)
    sqrt_beta = _babylonian_sqrt(jnp.float32(1.0) - a)
    s1 = jnp.float32(1.0) / sqrt_a
    s2 = sqrt_beta / sqrt_a

    bufs = ((nb0, xb0, ob0, si0, so0), (nb1, xb1, ob1, si1, so1))

    def in_copies(k, slot):
        nb, xb, _, si, _ = bufs[slot]
        off = base + k * CHUNK
        return (
            pltpu.make_async_copy(noise_hbm.at[pl.ds(off, CHUNK)], nb, si),
            pltpu.make_async_copy(xt_hbm.at[pl.ds(off, CHUNK)], xb, si),
        )

    def out_copy(k, slot):
        _, _, ob, _, so = bufs[slot]
        off = base + k * CHUNK
        return pltpu.make_async_copy(ob, out_hbm.at[pl.ds(off, CHUNK)], so)

    def compute(slot):
        nb, xb, ob, _, _ = bufs[slot]

        @plsc.parallel_loop(jnp.int32(0), jnp.int32(CHUNK), jnp.int32(LANES),
                            unroll=8)
        def _(i):
            sl = pl.ds(i, LANES)
            ob[sl] = xb[sl] * s1 - nb[sl] * s2

    for h in in_copies(jnp.int32(0), 0):
        h.start()
    for h in in_copies(jnp.int32(1), 1):
        h.start()

    @pl.loop(jnp.int32(0), jnp.int32(NGROUP))
    def _(g):
        for slot in (0, 1):
            k = 2 * g + slot
            for h in in_copies(k, slot):
                h.wait()

            @pl.when(g > jnp.int32(0))
            def _():
                out_copy(k - 2, slot).wait()

            compute(slot)
            out_copy(k, slot).start()

            @pl.when(k + 2 < jnp.int32(NCHUNK))
            def _():
                for h in in_copies(k + 2, slot):
                    h.start()

    out_copy(jnp.int32(NCHUNK - 2), 0).wait()
    out_copy(jnp.int32(NCHUNK - 1), 1).wait()


_sc_call = functools.partial(
    pl.kernel,
    out_type=jax.ShapeDtypeStruct((SC_BATCHES * N,), jnp.float32),
    mesh=plsc.VectorSubcoreMesh(
        core_axis_name="c", subcore_axis_name="s",
        num_cores=NC, num_subcores=NS),
    scratch_types=[
        pltpu.VMEM((2 * B,), jnp.int32),
        pltpu.VMEM((1024,), jnp.float32),
        pltpu.VMEM((CHUNK,), jnp.float32),
        pltpu.VMEM((CHUNK,), jnp.float32),
        pltpu.VMEM((CHUNK,), jnp.float32),
        pltpu.VMEM((CHUNK,), jnp.float32),
        pltpu.VMEM((CHUNK,), jnp.float32),
        pltpu.VMEM((CHUNK,), jnp.float32),
        pltpu.SemaphoreType.DMA,
        pltpu.SemaphoreType.DMA,
        pltpu.SemaphoreType.DMA,
        pltpu.SemaphoreType.DMA,
    ],
)(_sc_body)

NROW = N // 128
TROW = 512


def _tc_body(ts_ref, ac_ref, noise_ref, xt_ref, out_ref):
    b = pl.program_id(0) + SC_BATCHES
    t = ts_ref[2 * b] | ts_ref[2 * b + 1]
    a = ac_ref[t]
    s1 = lax.rsqrt(a)
    s2 = jnp.sqrt(jnp.float32(1.0) - a) * s1
    out_ref[...] = xt_ref[...] * s1 - noise_ref[...] * s2


def _tc_index_map(b, j):
    return (b + jnp.int32(SC_BATCHES), j, jnp.int32(0))


if SC_BATCHES < B:
    _tc_call = pl.pallas_call(
        _tc_body,
        grid=(B - SC_BATCHES, NROW // TROW),
        in_specs=[
            pl.BlockSpec((2 * B,), lambda b, j: (jnp.int32(0),),
                         memory_space=pltpu.SMEM),
            pl.BlockSpec((AC_LEN,), lambda b, j: (jnp.int32(0),),
                         memory_space=pltpu.SMEM),
            pl.BlockSpec((1, TROW, 128), _tc_index_map),
            pl.BlockSpec((1, TROW, 128), _tc_index_map),
        ],
        out_specs=pl.BlockSpec((1, TROW, 128), _tc_index_map),
        out_shape=jax.ShapeDtypeStruct((B, NROW, 128), jnp.float32),
    )


def kernel(noise, xt, timestep, alphas_cumprod):
    ts32 = lax.bitcast_convert_type(timestep, jnp.int32).reshape(2 * B)
    ac = alphas_cumprod.astype(jnp.float32)

    sc_out = _sc_call(noise.reshape(TOTAL), xt.reshape(TOTAL), ts32, ac)
    if SC_BATCHES == B:
        return sc_out.reshape(B, C, H, W)
    tc_out = _tc_call(ts32, ac, noise.reshape(B, NROW, 128),
                      xt.reshape(B, NROW, 128))
    out = lax.dynamic_update_slice(
        tc_out, sc_out.reshape(SC_BATCHES, NROW, 128), (0, 0, 0))
    return out.reshape(B, C, H, W)

# --- scband reference (transcript-rebuilt; emitter-appended) ---
"""Pipeline reference for scband-krea-scheduler-wrapper-28776280883368 (READ-ONLY COPY).

The authoritative reference and input builder live on the scoring server;
editing this copy changes nothing except your own understanding.
"""

import jax, jax.numpy as jnp
import numpy as np

jax.config.update("jax_enable_x64", True)


def setup_inputs(seed: int = 0) -> dict:
    key = jax.random.key(seed)
    k1, k2, k3 = jax.random.split(key, 3)
    B, C, H, W = 16, 16, 128, 128
    num_steps = 1000
    noise = jax.random.normal(k1, (B, C, H, W), dtype=jnp.float32)
    xt = jax.random.normal(k2, (B, C, H, W), dtype=jnp.float32)
    timestep = jax.random.randint(k3, (B,), 0, num_steps, dtype=jnp.int64)
    # Scheduler state: standard DDPM-style alphas_cumprod buffer of length num_inference_steps.
    betas = jnp.linspace(1e-4, 0.02, num_steps, dtype=jnp.float64)
    alphas_cumprod = jnp.cumprod(1.0 - betas).astype(jnp.float32)
    return {"noise": noise, "xt": xt, "timestep": timestep, "alphas_cumprod": alphas_cumprod}


def reference(noise, xt, timestep, alphas_cumprod):
    # Faithful port of KreaSchedulerWrapper.convert_noise_to_x0 (the canonical
    # conversion path the wrapper binds onto the scheduler):
    #   x0 = (x_t - sqrt(beta_t) * noise) / sqrt(alpha_t)
    # Original upcasts all operands to float64 and casts the result back.
    original_dtype = noise.dtype
    noise64 = noise.astype(jnp.float64)
    xt64 = xt.astype(jnp.float64)
    ac64 = alphas_cumprod.astype(jnp.float64)
    alpha_prod_t = jnp.take(ac64, timestep, axis=0).reshape(-1, 1, 1, 1)
    beta_prod_t = 1.0 - alpha_prod_t
    x0_pred = (xt64 - beta_prod_t ** 0.5 * noise64) / alpha_prod_t ** 0.5
    return x0_pred.astype(original_dtype)

if __name__ == "__main__":
    import jax
    _d = setup_inputs()
    print(jax.jit(kernel)(*tuple(_d.values())))

</pallas_src>

<mosaic_0001>
#map = affine_map<(d0, d1) -> (0)>
module attributes {stable_mosaic.version = 14 : i64} {
  func.func @_sc_body(%arg0: i32, %arg1: i32, %arg2: memref<4194304xf32, #tpu.memory_space<hbm>>, %arg3: memref<4194304xf32, #tpu.memory_space<hbm>>, %arg4: memref<32xi32, #tpu.memory_space<hbm>>, %arg5: memref<1000xf32, #tpu.memory_space<hbm>>, %arg6: memref<4194304xf32, #tpu.memory_space<hbm>>, %arg7: memref<32xi32, #tpu.memory_space<vmem>>, %arg8: memref<1024xf32, #tpu.memory_space<vmem>>, %arg9: memref<16384xf32, #tpu.memory_space<vmem>>, %arg10: memref<16384xf32, #tpu.memory_space<vmem>>, %arg11: memref<16384xf32, #tpu.memory_space<vmem>>, %arg12: memref<16384xf32, #tpu.memory_space<vmem>>, %arg13: memref<16384xf32, #tpu.memory_space<vmem>>, %arg14: memref<16384xf32, #tpu.memory_space<vmem>>, %arg15: memref<!tpu.dma_semaphore, #tpu.memory_space<semaphore_mem>>, %arg16: memref<!tpu.dma_semaphore, #tpu.memory_space<semaphore_mem>>, %arg17: memref<!tpu.dma_semaphore, #tpu.memory_space<semaphore_mem>>, %arg18: memref<!tpu.dma_semaphore, #tpu.memory_space<semaphore_mem>>) attributes {dimension_semantics = [#tpu.dimension_semantics<core_parallel>, #tpu.dimension_semantics<subcore_parallel>], iteration_bounds = array<i64: 2, 16>, scalar_prefetch = 0 : i64, scratch_operands = 12 : i64, tpu.core_type = #tpu.core_type<sc_vector_subcore>, window_params = [{transform_indices = #map}, {transform_indices = #map}, {transform_indices = #map}, {transform_indices = #map}, {transform_indices = #map}]} {
    %mul3A = arith.constant 2 : i32
    %mul3A_0 = arith.muli %arg1, %mul3A : i32
    %add3A = arith.addi %mul3A_0, %arg0 : i32
    %mul3A_1 = arith.constant 131072 : i32
    %mul3A_2 = arith.muli %add3A, %mul3A_1 : i32
    %jit3A = arith.constant 2 : i64
    %convert_element_type3A = arith.trunci %jit3A : i64 to i32
    %div3A = arith.divsi %add3A, %convert_element_type3A : i32
    %sign3A = arith.constant 0 : i32
    %sign3A_3 = arith.cmpi sgt, %add3A, %sign3A : i32
    %sign3A_4 = arith.extui %sign3A_3 : i1 to i32
    %sign3A_5 = arith.constant 0 : i32
    %sign3A_6 = arith.cmpi slt, %add3A, %sign3A_5 : i32
    %sign3A_7 = arith.extui %sign3A_6 : i1 to i32
    %sign3A_8 = arith.subi %sign3A_4, %sign3A_7 : i32
    %sign3A_9 = arith.constant 0 : i32
    %sign3A_10 = arith.cmpi sgt, %convert_element_type3A, %sign3A_9 : i32
    %sign3A_11 = arith.extui %sign3A_10 : i1 to i32
    %sign3A_12 = arith.constant 0 : i32
    %sign3A_13 = arith.cmpi slt, %convert_element_type3A, %sign3A_12 : i32
    %sign3A_14 = arith.extui %sign3A_13 : i1 to i32
    %sign3A_15 = arith.subi %sign3A_11, %sign3A_14 : i32
    %ne3A = arith.cmpi ne, %sign3A_8, %sign3A_15 : i32
    %rem3A = arith.remsi %add3A, %convert_element_type3A : i32
    %ne3A_16 = arith.constant 0 : i32
    %ne3A_17 = arith.cmpi ne, %rem3A, %ne3A_16 : i32
    %and3A = arith.andi %ne3A, %ne3A_17 : i1
    %sub3A = arith.constant 1 : i32
    %sub3A_18 = arith.subi %div3A, %sub3A : i32
    %select_n3A = arith.select %and3A, %sub3A_18, %div3A : i32
    "tpu.region"() ({
      %run_scoped3A = tpu.sem_alloc : memref<!tpu.dma_semaphore, #tpu.memory_space<semaphore_mem>>
      tpu.enqueue_dma source(%arg4 : memref<32xi32, #tpu.memory_space<hbm>>) target(%arg7 : memref<32xi32, #tpu.memory_space<vmem>>) target_semaphore(%run_scoped3A : memref<!tpu.dma_semaphore, #tpu.memory_space<semaphore_mem>>)
      tpu.wait_dma2 semaphore(%run_scoped3A : memref<!tpu.dma_semaphore, #tpu.memory_space<semaphore_mem>>) src(%arg4 : memref<32xi32, #tpu.memory_space<hbm>>) dst(%arg7 : memref<32xi32, #tpu.memory_space<vmem>>)
      tpu.yield
    }) : () -> ()
    "tpu.region"() ({
      %run_scoped3A = tpu.sem_alloc : memref<!tpu.dma_semaphore, #tpu.memory_space<semaphore_mem>>
      %dma_start3A_236 = arith.constant 0 : i32
      %dma_start3A_237 = tpu.memref_slice %arg8[%dma_start3A_236] : memref<1024xf32, #tpu.memory_space<vmem>> -> memref<1000xf32, #tpu.memory_space<vmem>>
      %dma_start3A_238 = arith.constant 0 : i32
      %dma_start3A_239 = tpu.memref_slice %arg8[%dma_start3A_238] : memref<1024xf32, #tpu.memory_space<vmem>> -> memref<1000xf32, #tpu.memory_space<vmem>>
      tpu.enqueue_dma source(%arg5 : memref<1000xf32, #tpu.memory_space<hbm>>) target(%dma_start3A_239 : memref<1000xf32, #tpu.memory_space<vmem>>) target_semaphore(%run_scoped3A : memref<!tpu.dma_semaphore, #tpu.memory_space<semaphore_mem>>)
      %dma_wait3A_240 = arith.constant 0 : i32
      %dma_wait3A_241 = tpu.memref_slice %arg8[%dma_wait3A_240] : memref<1024xf32, #tpu.memory_space<vmem>> -> memref<1000xf32, #tpu.memory_space<vmem>>
      %dma_wait3A_242 = arith.constant 0 : i32
      %dma_wait3A_243 = tpu.memref_slice %arg8[%dma_wait3A_242] : memref<1024xf32, #tpu.memory_space<vmem>> -> memref<1000xf32, #tpu.memory_space<vmem>>
      tpu.wait_dma2 semaphore(%run_scoped3A : memref<!tpu.dma_semaphore, #tpu.memory_space<semaphore_mem>>) src(%arg5 : memref<1000xf32, #tpu.memory_space<hbm>>) dst(%dma_wait3A_243 : memref<1000xf32, #tpu.memory_space<vmem>>)
      tpu.yield
    }) : () -> ()
    %mul3A_19 = arith.constant 2 : i32
    %mul3A_20 = arith.muli %mul3A_19, %select_n3A : i32
    %get3A = arith.index_cast %mul3A_20 : i32 to index
    %get3A_21 = tpu.vector_load %arg7[%get3A] {strides = array<i32>} : memref<32xi32, #tpu.memory_space<vmem>>, vector<16xi32>,
    %get3A_22 = vector.shape_cast %get3A_21 : vector<16xi32> to vector<16xi32>
    %slice3A = vector.extract_strided_slice %get3A_22 {offsets = [0], sizes = [1], strides = [1]} : vector<16xi32> to vector<1xi32>
    %squeeze3A = vector.extract %slice3A[0] : i32 from vector<1xi32>
    %slice3A_23 = vector.extract_strided_slice %get3A_22 {offsets = [1], sizes = [1], strides = [1]} : vector<16xi32> to vector<1xi32>
    %squeeze3A_24 = vector.extract %slice3A_23[0] : i32 from vector<1xi32>
    %or3A = arith.ori %squeeze3A, %squeeze3A_24 : i32
    %get3A_25 = arith.index_cast %or3A : i32 to index
    %get3A_26 = tpu.vector_load %arg8[%get3A_25] {strides = array<i32>} : memref<1024xf32, #tpu.memory_space<vmem>>, vector<16xf32>,
    %get3A_27 = vector.shape_cast %get3A_26 : vector<16xf32> to vector<16xf32>
    %slice3A_28 = vector.extract_strided_slice %get3A_27 {offsets = [0], sizes = [1], strides = [1]} : vector<16xf32> to vector<1xf32>
    %squeeze3A_29 = vector.extract %slice3A_28[0] : f32 from vector<1xf32>
    %broadcast_in_dim3A = vector.broadcast %squeeze3A_29 : f32 to vector<16xf32>
    %broadcast_in_dim3A_30 = arith.constant 1.000000e+00 : f32
    %broadcast_in_dim3A_31 = vector.broadcast %broadcast_in_dim3A_30 : f32 to vector<16xf32>
    %div3A_32 = arith.divf %broadcast_in_dim3A, %broadcast_in_dim3A_31 : vector<16xf32>
    %add3A_33 = arith.addf %broadcast_in_dim3A_31, %div3A_32 : vector<16xf32>
    %mul3A_34 = arith.constant 5.000000e-01 : f32
    %mul3A_35 = vector.broadcast %mul3A_34 : f32 to vector<16xf32>
    %mul3A_36 = arith.mulf %mul3A_35, %add3A_33 : vector<16xf32>
    %div3A_37 = arith.divf %broadcast_in_dim3A, %mul3A_36 : vector<16xf32>
    %add3A_38 = arith.addf %mul3A_36, %div3A_37 : vector<16xf32>
    %mul3A_39 = arith.constant 5.000000e-01 : f32
    %mul3A_40 = vector.broadcast %mul3A_39 : f32 to vector<16xf32>
    %mul3A_41 = arith.mulf %mul3A_40, %add3A_38 : vector<16xf32>
    %div3A_42 = arith.divf %broadcast_in_dim3A, %mul3A_41 : vector<16xf32>
    %add3A_43 = arith.addf %mul3A_41, %div3A_42 : vector<16xf32>
    %mul3A_44 = arith.constant 5.000000e-01 : f32
    %mul3A_45 = vector.broadcast %mul3A_44 : f32 to vector<16xf32>
    %mul3A_46 = arith.mulf %mul3A_45, %add3A_43 : vector<16xf32>
    %div3A_47 = arith.divf %broadcast_in_dim3A, %mul3A_46 : vector<16xf32>
    %add3A_48 = arith.addf %mul3A_46, %div3A_47 : vector<16xf32>
    %mul3A_49 = arith.constant 5.000000e-01 : f32
    %mul3A_50 = vector.broadcast %mul3A_49 : f32 to vector<16xf32>
    %mul3A_51 = arith.mulf %mul3A_50, %add3A_48 : vector<16xf32>
    %div3A_52 = arith.divf %broadcast_in_dim3A, %mul3A_51 : vector<16xf32>
    %add3A_53 = arith.addf %mul3A_51, %div3A_52 : vector<16xf32>
    %mul3A_54 = arith.constant 5.000000e-01 : f32
    %mul3A_55 = vector.broadcast %mul3A_54 : f32 to vector<16xf32>
    %mul3A_56 = arith.mulf %mul3A_55, %add3A_53 : vector<16xf32>
    %div3A_57 = arith.divf %broadcast_in_dim3A, %mul3A_56 : vector<16xf32>
    %add3A_58 = arith.addf %mul3A_56, %div3A_57 : vector<16xf32>
    %mul3A_59 = arith.constant 5.000000e-01 : f32
    %mul3A_60 = vector.broadcast %mul3A_59 : f32 to vector<16xf32>
    %mul3A_61 = arith.mulf %mul3A_60, %add3A_58 : vector<16xf32>
    %div3A_62 = arith.divf %broadcast_in_dim3A, %mul3A_61 : vector<16xf32>
    %add3A_63 = arith.addf %mul3A_61, %div3A_62 : vector<16xf32>
    %mul3A_64 = arith.constant 5.000000e-01 : f32
    %mul3A_65 = vector.broadcast %mul3A_64 : f32 to vector<16xf32>
    %mul3A_66 = arith.mulf %mul3A_65, %add3A_63 : vector<16xf32>
    %div3A_67 = arith.divf %broadcast_in_dim3A, %mul3A_66 : vector<16xf32>
    %add3A_68 = arith.addf %mul3A_66, %div3A_67 : vector<16xf32>
    %mul3A_69 = arith.constant 5.000000e-01 : f32
    %mul3A_70 = vector.broadcast %mul3A_69 : f32 to vector<16xf32>
    %mul3A_71 = arith.mulf %mul3A_70, %add3A_68 : vector<16xf32>
    %div3A_72 = arith.divf %broadcast_in_dim3A, %mul3A_71 : vector<16xf32>
    %add3A_73 = arith.addf %mul3A_71, %div3A_72 : vector<16xf32>
    %mul3A_74 = arith.constant 5.000000e-01 : f32
    %mul3A_75 = vector.broadcast %mul3A_74 : f32 to vector<16xf32>
    %mul3A_76 = arith.mulf %mul3A_75, %add3A_73 : vector<16xf32>
    %div3A_77 = arith.divf %broadcast_in_dim3A, %mul3A_76 : vector<16xf32>
    %add3A_78 = arith.addf %mul3A_76, %div3A_77 : vector<16xf32>
    %mul3A_79 = arith.constant 5.000000e-01 : f32
    %mul3A_80 = vector.broadcast %mul3A_79 : f32 to vector<16xf32>
    %mul3A_81 = arith.mulf %mul3A_80, %add3A_78 : vector<16xf32>
    %div3A_82 = arith.divf %broadcast_in_dim3A, %mul3A_81 : vector<16xf32>
    %add3A_83 = arith.addf %mul3A_81, %div3A_82 : vector<16xf32>
    %mul3A_84 = arith.constant 5.000000e-01 : f32
    %mul3A_85 = vector.broadcast %mul3A_84 : f32 to vector<16xf32>
    %mul3A_86 = arith.mulf %mul3A_85, %add3A_83 : vector<16xf32>
    %div3A_87 = arith.divf %broadcast_in_dim3A, %mul3A_86 : vector<16xf32>
    %add3A_88 = arith.addf %mul3A_86, %div3A_87 : vector<16xf32>
    %mul3A_89 = arith.constant 5.000000e-01 : f32
    %mul3A_90 = vector.broadcast %mul3A_89 : f32 to vector<16xf32>
    %mul3A_91 = arith.mulf %mul3A_90, %add3A_88 : vector<16xf32>
    %div3A_92 = arith.divf %broadcast_in_dim3A, %mul3A_91 : vector<16xf32>
    %add3A_93 = arith.addf %mul3A_91, %div3A_92 : vector<16xf32>
    %mul3A_94 = arith.constant 5.000000e-01 : f32
    %mul3A_95 = vector.broadcast %mul3A_94 : f32 to vector<16xf32>
    %mul3A_96 = arith.mulf %mul3A_95, %add3A_93 : vector<16xf32>
    %div3A_97 = arith.divf %broadcast_in_dim3A, %mul3A_96 : vector<16xf32>
    %add3A_98 = arith.addf %mul3A_96, %div3A_97 : vector<16xf32>
    %mul3A_99 = arith.constant 5.000000e-01 : f32
    %mul3A_100 = vector.broadcast %mul3A_99 : f32 to vector<16xf32>
    %mul3A_101 = arith.mulf %mul3A_100, %add3A_98 : vector<16xf32>
    %div3A_102 = arith.divf %broadcast_in_dim3A, %mul3A_101 : vector<16xf32>
    %add3A_103 = arith.addf %mul3A_101, %div3A_102 : vector<16xf32>
    %mul3A_104 = arith.constant 5.000000e-01 : f32
    %mul3A_105 = vector.broadcast %mul3A_104 : f32 to vector<16xf32>
    %mul3A_106 = arith.mulf %mul3A_105, %add3A_103 : vector<16xf32>
    %sub3A_107 = arith.constant 1.000000e+00 : f32
    %sub3A_108 = vector.broadcast %sub3A_107 : f32 to vector<16xf32>
    %sub3A_109 = arith.subf %sub3A_108, %broadcast_in_dim3A : vector<16xf32>
    %broadcast_in_dim3A_110 = arith.constant 1.000000e+00 : f32
    %broadcast_in_dim3A_111 = vector.broadcast %broadcast_in_dim3A_110 : f32 to vector<16xf32>
    %div3A_112 = arith.divf %sub3A_109, %broadcast_in_dim3A_111 : vector<16xf32>
    %add3A_113 = arith.addf %broadcast_in_dim3A_111, %div3A_112 : vector<16xf32>
    %mul3A_114 = arith.constant 5.000000e-01 : f32
    %mul3A_115 = vector.broadcast %mul3A_114 : f32 to vector<16xf32>
    %mul3A_116 = arith.mulf %mul3A_115, %add3A_113 : vector<16xf32>
    %div3A_117 = arith.divf %sub3A_109, %mul3A_116 : vector<16xf32>
    %add3A_118 = arith.addf %mul3A_116, %div3A_117 : vector<16xf32>
    %mul3A_119 = arith.constant 5.000000e-01 : f32
    %mul3A_120 = vector.broadcast %mul3A_119 : f32 to vector<16xf32>
    %mul3A_121 = arith.mulf %mul3A_120, %add3A_118 : vector<16xf32>
    %div3A_122 = arith.divf %sub3A_109, %mul3A_121 : vector<16xf32>
    %add3A_123 = arith.addf %mul3A_121, %div3A_122 : vector<16xf32>
    %mul3A_124 = arith.constant 5.000000e-01 : f32
    %mul3A_125 = vector.broadcast %mul3A_124 : f32 to vector<16xf32>
    %mul3A_126 = arith.mulf %mul3A_125, %add3A_123 : vector<16xf32>
    %div3A_127 = arith.divf %sub3A_109, %mul3A_126 : vector<16xf32>
    %add3A_128 = arith.addf %mul3A_126, %div3A_127 : vector<16xf32>
    %mul3A_129 = arith.constant 5.000000e-01 : f32
    %mul3A_130 = vector.broadcast %mul3A_129 : f32 to vector<16xf32>
    %mul3A_131 = arith.mulf %mul3A_130, %add3A_128 : vector<16xf32>
    %div3A_132 = arith.divf %sub3A_109, %mul3A_131 : vector<16xf32>
    %add3A_133 = arith.addf %mul3A_131, %div3A_132 : vector<16xf32>
    %mul3A_134 = arith.constant 5.000000e-01 : f32
    %mul3A_135 = vector.broadcast %mul3A_134 : f32 to vector<16xf32>
    %mul3A_136 = arith.mulf %mul3A_135, %add3A_133 : vector<16xf32>
    %div3A_137 = arith.divf %sub3A_109, %mul3A_136 : vector<16xf32>
    %add3A_138 = arith.addf %mul3A_136, %div3A_137 : vector<16xf32>
    %mul3A_139 = arith.constant 5.000000e-01 : f32
    %mul3A_140 = vector.broadcast %mul3A_139 : f32 to vector<16xf32>
    %mul3A_141 = arith.mulf %mul3A_140, %add3A_138 : vector<16xf32>
    %div3A_142 = arith.divf %sub3A_109, %mul3A_141 : vector<16xf32>
    %add3A_143 = arith.addf %mul3A_141, %div3A_142 : vector<16xf32>
    %mul3A_144 = arith.constant 5.000000e-01 : f32
    %mul3A_145 = vector.broadcast %mul3A_144 : f32 to vector<16xf32>
    %mul3A_146 = arith.mulf %mul3A_145, %add3A_143 : vector<16xf32>
    %div3A_147 = arith.divf %sub3A_109, %mul3A_146 : vector<16xf32>
    %add3A_148 = arith.addf %mul3A_146, %div3A_147 : vector<16xf32>
    %mul3A_149 = arith.constant 5.000000e-01 : f32
    %mul3A_150 = vector.broadcast %mul3A_149 : f32 to vector<16xf32>
    %mul3A_151 = arith.mulf %mul3A_150, %add3A_148 : vector<16xf32>
    %div3A_152 = arith.divf %sub3A_109, %mul3A_151 : vector<16xf32>
    %add3A_153 = arith.addf %mul3A_151, %div3A_152 : vector<16xf32>
    %mul3A_154 = arith.constant 5.000000e-01 : f32
    %mul3A_155 = vector.broadcast %mul3A_154 : f32 to vector<16xf32>
    %mul3A_156 = arith.mulf %mul3A_155, %add3A_153 : vector<16xf32>
    %div3A_157 = arith.divf %sub3A_109, %mul3A_156 : vector<16xf32>
    %add3A_158 = arith.addf %mul3A_156, %div3A_157 : vector<16xf32>
    %mul3A_159 = arith.constant 5.000000e-01 : f32
    %mul3A_160 = vector.broadcast %mul3A_159 : f32 to vector<16xf32>
    %mul3A_161 = arith.mulf %mul3A_160, %add3A_158 : vector<16xf32>
    %div3A_162 = arith.divf %sub3A_109, %mul3A_161 : vector<16xf32>
    %add3A_163 = arith.addf %mul3A_161, %div3A_162 : vector<16xf32>
    %mul3A_164 = arith.constant 5.000000e-01 : f32
    %mul3A_165 = vector.broadcast %mul3A_164 : f32 to vector<16xf32>
    %mul3A_166 = arith.mulf %mul3A_165, %add3A_163 : vector<16xf32>
    %div3A_167 = arith.divf %sub3A_109, %mul3A_166 : vector<16xf32>
    %add3A_168 = arith.addf %mul3A_166, %div3A_167 : vector<16xf32>
    %mul3A_169 = arith.constant 5.000000e-01 : f32
    %mul3A_170 = vector.broadcast %mul3A_169 : f32 to vector<16xf32>
    %mul3A_171 = arith.mulf %mul3A_170, %add3A_168 : vector<16xf32>
    %div3A_172 = arith.divf %sub3A_109, %mul3A_171 : vector<16xf32>
    %add3A_173 = arith.addf %mul3A_171, %div3A_172 : vector<16xf32>
    %mul3A_174 = arith.constant 5.000000e-01 : f32
    %mul3A_175 = vector.broadcast %mul3A_174 : f32 to vector<16xf32>
    %mul3A_176 = arith.mulf %mul3A_175, %add3A_173 : vector<16xf32>
    %div3A_177 = arith.divf %sub3A_109, %mul3A_176 : vector<16xf32>
    %add3A_178 = arith.addf %mul3A_176, %div3A_177 : vector<16xf32>
    %mul3A_179 = arith.constant 5.000000e-01 : f32
    %mul3A_180 = vector.broadcast %mul3A_179 : f32 to vector<16xf32>
    %mul3A_181 = arith.mulf %mul3A_180, %add3A_178 : vector<16xf32>
    %div3A_182 = arith.divf %sub3A_109, %mul3A_181 : vector<16xf32>
    %add3A_183 = arith.addf %mul3A_181, %div3A_182 : vector<16xf32>
    %mul3A_184 = arith.constant 5.000000e-01 : f32
    %mul3A_185 = vector.broadcast %mul3A_184 : f32 to vector<16xf32>
    %mul3A_186 = arith.mulf %mul3A_185, %add3A_183 : vector<16xf32>
    %div3A_187 = arith.constant 1.000000e+00 : f32
    %div3A_188 = vector.broadcast %div3A_187 : f32 to vector<16xf32>
    %div3A_189 = arith.divf %div3A_188, %mul3A_106 : vector<16xf32>
    %div3A_190 = arith.divf %mul3A_186, %mul3A_106 : vector<16xf32>
    %mul3A_191 = arith.constant 0 : i32
    %mul3A_192 = arith.constant 16384 : i32
    %mul3A_193 = arith.muli %mul3A_191, %mul3A_192 : i32
    %add3A_194 = arith.addi %mul3A_2, %mul3A_193 : i32
    %dma_start3A = tpu.memref_slice %arg2[%add3A_194] : memref<4194304xf32, #tpu.memory_space<hbm>> -> memref<16384xf32, #tpu.memory_space<hbm>>
    %dma_start3A_195 = tpu.memref_slice %arg2[%add3A_194] : memref<4194304xf32, #tpu.memory_space<hbm>> -> memref<16384xf32, #tpu.memory_space<hbm>>
    tpu.enqueue_dma source(%dma_start3A_195 : memref<16384xf32, #tpu.memory_space<hbm>>) target(%arg9 : memref<16384xf32, #tpu.memory_space<vmem>>) target_semaphore(%arg15 : memref<!tpu.dma_semaphore, #tpu.memory_space<semaphore_mem>>)
    %dma_start3A_196 = tpu.memref_slice %arg3[%add3A_194] : memref<4194304xf32, #tpu.memory_space<hbm>> -> memref<16384xf32, #tpu.memory_space<hbm>>
    %dma_start3A_197 = tpu.memref_slice %arg3[%add3A_194] : memref<4194304xf32, #tpu.memory_space<hbm>> -> memref<16384xf32, #tpu.memory_space<hbm>>
    tpu.enqueue_dma source(%dma_start3A_197 : memref<16384xf32, #tpu.memory_space<hbm>>) target(%arg10 : memref<16384xf32, #tpu.memory_space<vmem>>) target_semaphore(%arg15 : memref<!tpu.dma_semaphore, #tpu.memory_space<semaphore_mem>>)
    %mul3A_198 = arith.constant 1 : i32
    %mul3A_199 = arith.constant 16384 : i32
    %mul3A_200 = arith.muli %mul3A_198, %mul3A_199 : i32
    %add3A_201 = arith.addi %mul3A_2, %mul3A_200 : i32
    %dma_start3A_202 = tpu.memref_slice %arg2[%add3A_201] : memref<4194304xf32, #tpu.memory_space<hbm>> -> memref<16384xf32, #tpu.memory_space<hbm>>
    %dma_start3A_203 = tpu.memref_slice %arg2[%add3A_201] : memref<4194304xf32, #tpu.memory_space<hbm>> -> memref<16384xf32, #tpu.memory_space<hbm>>
    tpu.enqueue_dma source(%dma_start3A_203 : memref<16384xf32, #tpu.memory_space<hbm>>) target(%arg12 : memref<16384xf32, #tpu.memory_space<vmem>>) target_semaphore(%arg16 : memref<!tpu.dma_semaphore, #tpu.memory_space<semaphore_mem>>)
    %dma_start3A_204 = tpu.memref_slice %arg3[%add3A_201] : memref<4194304xf32, #tpu.memory_space<hbm>> -> memref<16384xf32, #tpu.memory_space<hbm>>
    %dma_start3A_205 = tpu.memref_slice %arg3[%add3A_201] : memref<4194304xf32, #tpu.memory_space<hbm>> -> memref<16384xf32, #tpu.memory_space<hbm>>
    tpu.enqueue_dma source(%dma_start3A_205 : memref<16384xf32, #tpu.memory_space<hbm>>) target(%arg13 : memref<16384xf32, #tpu.memory_space<vmem>>) target_semaphore(%arg16 : memref<!tpu.dma_semaphore, #tpu.memory_space<semaphore_mem>>)
    %sub3A_206 = arith.constant 4 : i32
    %sub3A_207 = arith.constant 0 : i32
    %sub3A_208 = arith.subi %sub3A_206, %sub3A_207 : i32
    %sub3A_209 = arith.constant 1 : i32
    %sub3A_210 = arith.constant 1 : i32
    %sub3A_211 = arith.subi %sub3A_209, %sub3A_210 : i32
    %add3A_212 = arith.addi %sub3A_208, %sub3A_211 : i32
    %div3A_213 = arith.constant 1 : i32
    %div3A_214 = arith.divsi %add3A_212, %div3A_213 : i32
    %while3A = arith.constant 1 : i32
    %while3A_215 = arith.constant 0 : i32
    %while3A_216 = arith.constant 0 : i32
    %while3A_217 = arith.subi %div3A_214, %while3A_216 : i32
    %while3A_218 = arith.addi %while3A_216, %while3A_217 : i32
    %while3A_219 = arith.constant 1 : i32
    %while3A_220 = arith.divsi %while3A_217, %while3A_219 : i32
    %while3A_221 = arith.muli %while3A_220, %while3A_219 : i32
    %while3A_222 = arith.addi %while3A_216, %while3A_221 : i32
    %while3A_223 = arith.constant 1 : i32
    scf.for %while3A_236 = %while3A_216 to %while3A_222 step %while3A_223  : i32 {
      %mul3A_237 = arith.muli %while3A_236, %while3A : i32
      %add3A_238 = arith.addi %while3A_215, %mul3A_237 : i32
      %mul3A_239 = arith.constant 2 : i32
      %mul3A_240 = arith.muli %mul3A_239, %add3A_238 : i32
      %add3A_241 = arith.constant 0 : i32
      %add3A_242 = arith.addi %mul3A_240, %add3A_241 : i32
      %mul3A_243 = arith.constant 16384 : i32
      %mul3A_244 = arith.muli %add3A_242, %mul3A_243 : i32
      %add3A_245 = arith.addi %mul3A_2, %mul3A_244 : i32
      %dma_wait3A_246 = tpu.memref_slice %arg2[%add3A_245] : memref<4194304xf32, #tpu.memory_space<hbm>> -> memref<16384xf32, #tpu.memory_space<hbm>>
      %dma_wait3A_247 = tpu.memref_slice %arg2[%add3A_245] : memref<4194304xf32, #tpu.memory_space<hbm>> -> memref<16384xf32, #tpu.memory_space<hbm>>
      tpu.wait_dma2 semaphore(%arg15 : memref<!tpu.dma_semaphore, #tpu.memory_space<semaphore_mem>>) src(%dma_wait3A_247 : memref<16384xf32, #tpu.memory_space<hbm>>) dst(%arg9 : memref<16384xf32, #tpu.memory_space<vmem>>)
      %dma_wait3A_248 = tpu.memref_slice %arg3[%add3A_245] : memref<4194304xf32, #tpu.memory_space<hbm>> -> memref<16384xf32, #tpu.memory_space<hbm>>
      %dma_wait3A_249 = tpu.memref_slice %arg3[%add3A_245] : memref<4194304xf32, #tpu.memory_space<hbm>> -> memref<16384xf32, #tpu.memory_space<hbm>>
      tpu.wait_dma2 semaphore(%arg15 : memref<!tpu.dma_semaphore, #tpu.memory_space<semaphore_mem>>) src(%dma_wait3A_249 : memref<16384xf32, #tpu.memory_space<hbm>>) dst(%arg10 : memref<16384xf32, #tpu.memory_space<vmem>>)
      %gt3A = arith.constant 0 : i32
      %gt3A_250 = arith.cmpi sgt, %add3A_238, %gt3A : i32
      %convert_element_type3A_251 = arith.extui %gt3A_250 : i1 to i32
      %cond3A = arith.constant 0 : i32
      %cond3A_252 = arith.cmpi ne, %convert_element_type3A_251, %cond3A : i32
      scf.if %cond3A_252 {
        %sub3A_297 = arith.constant 2 : i32
        %sub3A_298 = arith.subi %add3A_242, %sub3A_297 : i32
        %mul3A_299 = arith.constant 16384 : i32
        %mul3A_300 = arith.muli %sub3A_298, %mul3A_299 : i32
        %add3A_301 = arith.addi %mul3A_2, %mul3A_300 : i32
        %dma_wait3A_302 = tpu.memref_slice %arg6[%add3A_301] : memref<4194304xf32, #tpu.memory_space<hbm>> -> memref<16384xf32, #tpu.memory_space<hbm>>
        %dma_wait3A_303 = tpu.memref_slice %arg6[%add3A_301] : memref<4194304xf32, #tpu.memory_space<hbm>> -> memref<16384xf32, #tpu.memory_space<hbm>>
        tpu.wait_dma2 semaphore(%arg17 : memref<!tpu.dma_semaphore, #tpu.memory_space<semaphore_mem>>) src(%arg11 : memref<16384xf32, #tpu.memory_space<vmem>>) dst(%dma_wait3A_303 : memref<16384xf32, #tpu.memory_space<hbm>>)
      } else {
      }
      %parallel_loop3A = arith.constant 0 : i32
      %parallel_loop3A_253 = arith.constant 16384 : i32
      %parallel_loop3A_254 = arith.constant 16 : i32
      scf.for %parallel_loop3A_297 = %parallel_loop3A to %parallel_loop3A_253 step %parallel_loop3A_254  : i32 {
        %parallel_loop3A_298 = arith.index_cast %parallel_loop3A_297 : i32 to index
        %parallel_loop3A_299 = tpu.vector_load %arg10[%parallel_loop3A_298] {strides = array<i32>} : memref<16384xf32, #tpu.memory_space<vmem>>, vector<16xf32>,
        %parallel_loop3A_300 = vector.shape_cast %parallel_loop3A_299 : vector<16xf32> to vector<16xf32>
        %parallel_loop3A_301 = arith.mulf %parallel_loop3A_300, %div3A_189 : vector<16xf32>
        %parallel_loop3A_302 = arith.index_cast %parallel_loop3A_297 : i32 to index
        %parallel_loop3A_303 = tpu.vector_load %arg9[%parallel_loop3A_302] {strides = array<i32>} : memref<16384xf32, #tpu.memory_space<vmem>>, vector<16xf32>,
        %parallel_loop3A_304 = vector.shape_cast %parallel_loop3A_303 : vector<16xf32> to vector<16xf32>
        %parallel_loop3A_305 = arith.mulf %parallel_loop3A_304, %div3A_190 : vector<16xf32>
        %parallel_loop3A_306 = arith.subf %parallel_loop3A_301, %parallel_loop3A_305 : vector<16xf32>
        %parallel_loop3A_307 = arith.index_cast %parallel_loop3A_297 : i32 to index
        %parallel_loop3A_308 = tpu.vector_load %arg11[%parallel_loop3A_307] {strides = array<i32>} : memref<16384xf32, #tpu.memory_space<vmem>>, vector<16xf32>,
        %parallel_loop3A_309 = vector.shape_cast %parallel_loop3A_308 : vector<16xf32> to vector<16xf32>
        %parallel_loop3A_310 = vector.shape_cast %parallel_loop3A_306 : vector<16xf32> to vector<16xf32>
        tpu.vector_store %arg11[%parallel_loop3A_307], %parallel_loop3A_310 {strides = array<i32>} : memref<16384xf32, #tpu.memory_space<vmem>>, vector<16xf32>,
      } {sc.loop_unroll_factor = 8 : i64, sc.parallel_access}
      %mul3A_255 = arith.constant 16384 : i32
      %mul3A_256 = arith.muli %add3A_242, %mul3A_255 : i32
      %add3A_257 = arith.addi %mul3A_2, %mul3A_256 : i32
      %dma_start3A_258 = tpu.memref_slice %arg6[%add3A_257] : memref<4194304xf32, #tpu.memory_space<hbm>> -> memref<16384xf32, #tpu.memory_space<hbm>>
      %dma_start3A_259 = tpu.memref_slice %arg6[%add3A_257] : memref<4194304xf32, #tpu.memory_space<hbm>> -> memref<16384xf32, #tpu.memory_space<hbm>>
      tpu.enqueue_dma source(%arg11 : memref<16384xf32, #tpu.memory_space<vmem>>) target(%dma_start3A_259 : memref<16384xf32, #tpu.memory_space<hbm>>) target_semaphore(%arg17 : memref<!tpu.dma_semaphore, #tpu.memory_space<semaphore_mem>>)
      %add3A_260 = arith.constant 2 : i32
      %add3A_261 = arith.addi %add3A_242, %add3A_260 : i32
      %lt3A = arith.constant 8 : i32
      %lt3A_262 = arith.cmpi slt, %add3A_261, %lt3A : i32
      %convert_element_type3A_263 = arith.extui %lt3A_262 : i1 to i32
      %cond3A_264 = arith.constant 0 : i32
      %cond3A_265 = arith.cmpi ne, %convert_element_type3A_263, %cond3A_264 : i32
      scf.if %cond3A_265 {
        %add3A_297 = arith.constant 2 : i32
        %add3A_298 = arith.addi %add3A_242, %add3A_297 : i32
        %mul3A_299 = arith.constant 16384 : i32
        %mul3A_300 = arith.muli %add3A_298, %mul3A_299 : i32
        %add3A_301 = arith.addi %mul3A_2, %mul3A_300 : i32
        %dma_start3A_302 = tpu.memref_slice %arg2[%add3A_301] : memref<4194304xf32, #tpu.memory_space<hbm>> -> memref<16384xf32, #tpu.memory_space<hbm>>
        %dma_start3A_303 = tpu.memref_slice %arg2[%add3A_301] : memref<4194304xf32, #tpu.memory_space<hbm>> -> memref<16384xf32, #tpu.memory_space<hbm>>
        tpu.enqueue_dma source(%dma_start3A_303 : memref<16384xf32, #tpu.memory_space<hbm>>) target(%arg9 : memref<16384xf32, #tpu.memory_space<vmem>>) target_semaphore(%arg15 : memref<!tpu.dma_semaphore, #tpu.memory_space<semaphore_mem>>)
        %dma_start3A_304 = tpu.memref_slice %arg3[%add3A_301] : memref<4194304xf32, #tpu.memory_space<hbm>> -> memref<16384xf32, #tpu.memory_space<hbm>>
        %dma_start3A_305 = tpu.memref_slice %arg3[%add3A_301] : memref<4194304xf32, #tpu.memory_space<hbm>> -> memref<16384xf32, #tpu.memory_space<hbm>>
        tpu.enqueue_dma source(%dma_start3A_305 : memref<16384xf32, #tpu.memory_space<hbm>>) target(%arg10 : memref<16384xf32, #tpu.memory_space<vmem>>) target_semaphore(%arg15 : memref<!tpu.dma_semaphore, #tpu.memory_space<semaphore_mem>>)
      } else {
      }
      %mul3A_266 = arith.constant 2 : i32
      %mul3A_267 = arith.muli %mul3A_266, %add3A_238 : i32
      %add3A_268 = arith.constant 1 : i32
      %add3A_269 = arith.addi %mul3A_267, %add3A_268 : i32
      %mul3A_270 = arith.constant 16384 : i32
      %mul3A_271 = arith.muli %add3A_269, %mul3A_270 : i32
      %add3A_272 = arith.addi %mul3A_2, %mul3A_271 : i32
      %dma_wait3A_273 = tpu.memref_slice %arg2[%add3A_272] : memref<4194304xf32, #tpu.memory_space<hbm>> -> memref<16384xf32, #tpu.memory_space<hbm>>
      %dma_wait3A_274 = tpu.memref_slice %arg2[%add3A_272] : memref<4194304xf32, #tpu.memory_space<hbm>> -> memref<16384xf32, #tpu.memory_space<hbm>>
      tpu.wait_dma2 semaphore(%arg16 : memref<!tpu.dma_semaphore, #tpu.memory_space<semaphore_mem>>) src(%dma_wait3A_274 : memref<16384xf32, #tpu.memory_space<hbm>>) dst(%arg12 : memref<16384xf32, #tpu.memory_space<vmem>>)
      %dma_wait3A_275 = tpu.memref_slice %arg3[%add3A_272] : memref<4194304xf32, #tpu.memory_space<hbm>> -> memref<16384xf32, #tpu.memory_space<hbm>>
      %dma_wait3A_276 = tpu.memref_slice %arg3[%add3A_272] : memref<4194304xf32, #tpu.memory_space<hbm>> -> memref<16384xf32, #tpu.memory_space<hbm>>
      tpu.wait_dma2 semaphore(%arg16 : memref<!tpu.dma_semaphore, #tpu.memory_space<semaphore_mem>>) src(%dma_wait3A_276 : memref<16384xf32, #tpu.memory_space<hbm>>) dst(%arg13 : memref<16384xf32, #tpu.memory_space<vmem>>)
      %gt3A_277 = arith.constant 0 : i32
      %gt3A_278 = arith.cmpi sgt, %add3A_238, %gt3A_277 : i32
      %convert_element_type3A_279 = arith.extui %gt3A_278 : i1 to i32
      %cond3A_280 = arith.constant 0 : i32
      %cond3A_281 = arith.cmpi ne, %convert_element_type3A_279, %cond3A_280 : i32
      scf.if %cond3A_281 {
        %sub3A_297 = arith.constant 2 : i32
        %sub3A_298 = arith.subi %add3A_269, %sub3A_297 : i32
        %mul3A_299 = arith.constant 16384 : i32
        %mul3A_300 = arith.muli %sub3A_298, %mul3A_299 : i32
        %add3A_301 = arith.addi %mul3A_2, %mul3A_300 : i32
        %dma_wait3A_302 = tpu.memref_slice %arg6[%add3A_301] : memref<4194304xf32, #tpu.memory_space<hbm>> -> memref<16384xf32, #tpu.memory_space<hbm>>
        %dma_wait3A_303 = tpu.memref_slice %arg6[%add3A_301] : memref<4194304xf32, #tpu.memory_space<hbm>> -> memref<16384xf32, #tpu.memory_space<hbm>>
        tpu.wait_dma2 semaphore(%arg18 : memref<!tpu.dma_semaphore, #tpu.memory_space<semaphore_mem>>) src(%arg14 : memref<16384xf32, #tpu.memory_space<vmem>>) dst(%dma_wait3A_303 : memref<16384xf32, #tpu.memory_space<hbm>>)
      } else {
      }
      %parallel_loop3A_282 = arith.constant 0 : i32
      %parallel_loop3A_283 = arith.constant 16384 : i32
      %parallel_loop3A_284 = arith.constant 16 : i32
      scf.for %parallel_loop3A_297 = %parallel_loop3A_282 to %parallel_loop3A_283 step %parallel_loop3A_284  : i32 {
        %parallel_loop3A_298 = arith.index_cast %parallel_loop3A_297 : i32 to index
        %parallel_loop3A_299 = tpu.vector_load %arg13[%parallel_loop3A_298] {strides = array<i32>} : memref<16384xf32, #tpu.memory_space<vmem>>, vector<16xf32>,
        %parallel_loop3A_300 = vector.shape_cast %parallel_loop3A_299 : vector<16xf32> to vector<16xf32>
        %parallel_loop3A_301 = arith.mulf %parallel_loop3A_300, %div3A_189 : vector<16xf32>
        %parallel_loop3A_302 = arith.index_cast %parallel_loop3A_297 : i32 to index
        %parallel_loop3A_303 = tpu.vector_load %arg12[%parallel_loop3A_302] {strides = array<i32>} : memref<16384xf32, #tpu.memory_space<vmem>>, vector<16xf32>,
        %parallel_loop3A_304 = vector.shape_cast %parallel_loop3A_303 : vector<16xf32> to vector<16xf32>
        %parallel_loop3A_305 = arith.mulf %parallel_loop3A_304, %div3A_190 : vector<16xf32>
        %parallel_loop3A_306 = arith.subf %parallel_loop3A_301, %parallel_loop3A_305 : vector<16xf32>
        %parallel_loop3A_307 = arith.index_cast %parallel_loop3A_297 : i32 to index
        %parallel_loop3A_308 = tpu.vector_load %arg14[%parallel_loop3A_307] {strides = array<i32>} : memref<16384xf32, #tpu.memory_space<vmem>>, vector<16xf32>,
        %parallel_loop3A_309 = vector.shape_cast %parallel_loop3A_308 : vector<16xf32> to vector<16xf32>
        %parallel_loop3A_310 = vector.shape_cast %parallel_loop3A_306 : vector<16xf32> to vector<16xf32>
        tpu.vector_store %arg14[%parallel_loop3A_307], %parallel_loop3A_310 {strides = array<i32>} : memref<16384xf32, #tpu.memory_space<vmem>>, vector<16xf32>,
      } {sc.loop_unroll_factor = 8 : i64, sc.parallel_access}
      %mul3A_285 = arith.constant 16384 : i32
      %mul3A_286 = arith.muli %add3A_269, %mul3A_285 : i32
      %add3A_287 = arith.addi %mul3A_2, %mul3A_286 : i32
      %dma_start3A_288 = tpu.memref_slice %arg6[%add3A_287] : memref<4194304xf32, #tpu.memory_space<hbm>> -> memref<16384xf32, #tpu.memory_space<hbm>>
      %dma_start3A_289 = tpu.memref_slice %arg6[%add3A_287] : memref<4194304xf32, #tpu.memory_space<hbm>> -> memref<16384xf32, #tpu.memory_space<hbm>>
      tpu.enqueue_dma source(%arg14 : memref<16384xf32, #tpu.memory_space<vmem>>) target(%dma_start3A_289 : memref<16384xf32, #tpu.memory_space<hbm>>) target_semaphore(%arg18 : memref<!tpu.dma_semaphore, #tpu.memory_space<semaphore_mem>>)
      %add3A_290 = arith.constant 2 : i32
      %add3A_291 = arith.addi %add3A_269, %add3A_290 : i32
      %lt3A_292 = arith.constant 8 : i32
      %lt3A_293 = arith.cmpi slt, %add3A_291, %lt3A_292 : i32
      %convert_element_type3A_294 = arith.extui %lt3A_293 : i1 to i32
      %cond3A_295 = arith.constant 0 : i32
      %cond3A_296 = arith.cmpi ne, %convert_element_type3A_294, %cond3A_295 : i32
      scf.if %cond3A_296 {
        %add3A_297 = arith.constant 2 : i32
        %add3A_298 = arith.addi %add3A_269, %add3A_297 : i32
        %mul3A_299 = arith.constant 16384 : i32
        %mul3A_300 = arith.muli %add3A_298, %mul3A_299 : i32
        %add3A_301 = arith.addi %mul3A_2, %mul3A_300 : i32
        %dma_start3A_302 = tpu.memref_slice %arg2[%add3A_301] : memref<4194304xf32, #tpu.memory_space<hbm>> -> memref<16384xf32, #tpu.memory_space<hbm>>
        %dma_start3A_303 = tpu.memref_slice %arg2[%add3A_301] : memref<4194304xf32, #tpu.memory_space<hbm>> -> memref<16384xf32, #tpu.memory_space<hbm>>
        tpu.enqueue_dma source(%dma_start3A_303 : memref<16384xf32, #tpu.memory_space<hbm>>) target(%arg12 : memref<16384xf32, #tpu.memory_space<vmem>>) target_semaphore(%arg16 : memref<!tpu.dma_semaphore, #tpu.memory_space<semaphore_mem>>)
        %dma_start3A_304 = tpu.memref_slice %arg3[%add3A_301] : memref<4194304xf32, #tpu.memory_space<hbm>> -> memref<16384xf32, #tpu.memory_space<hbm>>
        %dma_start3A_305 = tpu.memref_slice %arg3[%add3A_301] : memref<4194304xf32, #tpu.memory_space<hbm>> -> memref<16384xf32, #tpu.memory_space<hbm>>
        tpu.enqueue_dma source(%dma_start3A_305 : memref<16384xf32, #tpu.memory_space<hbm>>) target(%arg13 : memref<16384xf32, #tpu.memory_space<vmem>>) target_semaphore(%arg16 : memref<!tpu.dma_semaphore, #tpu.memory_space<semaphore_mem>>)
      } else {
      }
    }
    %while3A_224 = arith.constant 1 : i32
    scf.for %while3A_236 = %while3A_222 to %while3A_218 step %while3A_224  : i32 {
      %mul3A_237 = arith.muli %while3A_236, %while3A : i32
      %add3A_238 = arith.addi %while3A_215, %mul3A_237 : i32
      %mul3A_239 = arith.constant 2 : i32
      %mul3A_240 = arith.muli %mul3A_239, %add3A_238 : i32
      %add3A_241 = arith.constant 0 : i32
      %add3A_242 = arith.addi %mul3A_240, %add3A_241 : i32
      %mul3A_243 = arith.constant 16384 : i32
      %mul3A_244 = arith.muli %add3A_242, %mul3A_243 : i32
      %add3A_245 = arith.addi %mul3A_2, %mul3A_244 : i32
      %dma_wait3A_246 = tpu.memref_slice %arg2[%add3A_245] : memref<4194304xf32, #tpu.memory_space<hbm>> -> memref<16384xf32, #tpu.memory_space<hbm>>
      %dma_wait3A_247 = tpu.memref_slice %arg2[%add3A_245] : memref<4194304xf32, #tpu.memory_space<hbm>> -> memref<16384xf32, #tpu.memory_space<hbm>>
      tpu.wait_dma2 semaphore(%arg15 : memref<!tpu.dma_semaphore, #tpu.memory_space<semaphore_mem>>) src(%dma_wait3A_247 : memref<16384xf32, #tpu.memory_space<hbm>>) dst(%arg9 : memref<16384xf32, #tpu.memory_space<vmem>>)
      %dma_wait3A_248 = tpu.memref_slice %arg3[%add3A_245] : memref<4194304xf32, #tpu.memory_space<hbm>> -> memref<16384xf32, #tpu.memory_space<hbm>>
      %dma_wait3A_249 = tpu.memref_slice %arg3[%add3A_245] : memref<4194304xf32, #tpu.memory_space<hbm>> -> memref<16384xf32, #tpu.memory_space<hbm>>
      tpu.wait_dma2 semaphore(%arg15 : memref<!tpu.dma_semaphore, #tpu.memory_space<semaphore_mem>>) src(%dma_wait3A_249 : memref<16384xf32, #tpu.memory_space<hbm>>) dst(%arg10 : memref<16384xf32, #tpu.memory_space<vmem>>)
      %gt3A = arith.constant 0 : i32
      %gt3A_250 = arith.cmpi sgt, %add3A_238, %gt3A : i32
      %convert_element_type3A_251 = arith.extui %gt3A_250 : i1 to i32
      %cond3A = arith.constant 0 : i32
      %cond3A_252 = arith.cmpi ne, %convert_element_type3A_251, %cond3A : i32
      scf.if %cond3A_252 {
        %sub3A_297 = arith.constant 2 : i32
        %sub3A_298 = arith.subi %add3A_242, %sub3A_297 : i32
        %mul3A_299 = arith.constant 16384 : i32
        %mul3A_300 = arith.muli %sub3A_298, %mul3A_299 : i32
        %add3A_301 = arith.addi %mul3A_2, %mul3A_300 : i32
        %dma_wait3A_302 = tpu.memref_slice %arg6[%add3A_301] : memref<4194304xf32, #tpu.memory_space<hbm>> -> memref<16384xf32, #tpu.memory_space<hbm>>
        %dma_wait3A_303 = tpu.memref_slice %arg6[%add3A_301] : memref<4194304xf32, #tpu.memory_space<hbm>> -> memref<16384xf32, #tpu.memory_space<hbm>>
        tpu.wait_dma2 semaphore(%arg17 : memref<!tpu.dma_semaphore, #tpu.memory_space<semaphore_mem>>) src(%arg11 : memref<16384xf32, #tpu.memory_space<vmem>>) dst(%dma_wait3A_303 : memref<16384xf32, #tpu.memory_space<hbm>>)
      } else {
      }
      %parallel_loop3A = arith.constant 0 : i32
      %parallel_loop3A_253 = arith.constant 16384 : i32
      %parallel_loop3A_254 = arith.constant 16 : i32
      scf.for %parallel_loop3A_297 = %parallel_loop3A to %parallel_loop3A_253 step %parallel_loop3A_254  : i32 {
        %parallel_loop3A_298 = arith.index_cast %parallel_loop3A_297 : i32 to index
        %parallel_loop3A_299 = tpu.vector_load %arg10[%parallel_loop3A_298] {strides = array<i32>} : memref<16384xf32, #tpu.memory_space<vmem>>, vector<16xf32>,
        %parallel_loop3A_300 = vector.shape_cast %parallel_loop3A_299 : vector<16xf32> to vector<16xf32>
        %parallel_loop3A_301 = arith.mulf %parallel_loop3A_300, %div3A_189 : vector<16xf32>
        %parallel_loop3A_302 = arith.index_cast %parallel_loop3A_297 : i32 to index
        %parallel_loop3A_303 = tpu.vector_load %arg9[%parallel_loop3A_302] {strides = array<i32>} : memref<16384xf32, #tpu.memory_space<vmem>>, vector<16xf32>,
        %parallel_loop3A_304 = vector.shape_cast %parallel_loop3A_303 : vector<16xf32> to vector<16xf32>
        %parallel_loop3A_305 = arith.mulf %parallel_loop3A_304, %div3A_190 : vector<16xf32>
        %parallel_loop3A_306 = arith.subf %parallel_loop3A_301, %parallel_loop3A_305 : vector<16xf32>
        %parallel_loop3A_307 = arith.index_cast %parallel_loop3A_297 : i32 to index
        %parallel_loop3A_308 = tpu.vector_load %arg11[%parallel_loop3A_307] {strides = array<i32>} : memref<16384xf32, #tpu.memory_space<vmem>>, vector<16xf32>,
        %parallel_loop3A_309 = vector.shape_cast %parallel_loop3A_308 : vector<16xf32> to vector<16xf32>
        %parallel_loop3A_310 = vector.shape_cast %parallel_loop3A_306 : vector<16xf32> to vector<16xf32>
        tpu.vector_store %arg11[%parallel_loop3A_307], %parallel_loop3A_310 {strides = array<i32>} : memref<16384xf32, #tpu.memory_space<vmem>>, vector<16xf32>,
      } {sc.loop_unroll_factor = 8 : i64, sc.parallel_access}
      %mul3A_255 = arith.constant 16384 : i32
      %mul3A_256 = arith.muli %add3A_242, %mul3A_255 : i32
      %add3A_257 = arith.addi %mul3A_2, %mul3A_256 : i32
      %dma_start3A_258 = tpu.memref_slice %arg6[%add3A_257] : memref<4194304xf32, #tpu.memory_space<hbm>> -> memref<16384xf32, #tpu.memory_space<hbm>>
      %dma_start3A_259 = tpu.memref_slice %arg6[%add3A_257] : memref<4194304xf32, #tpu.memory_space<hbm>> -> memref<16384xf32, #tpu.memory_space<hbm>>
      tpu.enqueue_dma source(%arg11 : memref<16384xf32, #tpu.memory_space<vmem>>) target(%dma_start3A_259 : memref<16384xf32, #tpu.memory_space<hbm>>) target_semaphore(%arg17 : memref<!tpu.dma_semaphore, #tpu.memory_space<semaphore_mem>>)
      %add3A_260 = arith.constant 2 : i32
      %add3A_261 = arith.addi %add3A_242, %add3A_260 : i32
      %lt3A = arith.constant 8 : i32
      %lt3A_262 = arith.cmpi slt, %add3A_261, %lt3A : i32
      %convert_element_type3A_263 = arith.extui %lt3A_262 : i1 to i32
      %cond3A_264 = arith.constant 0 : i32
      %cond3A_265 = arith.cmpi ne, %convert_element_type3A_263, %cond3A_264 : i32
      scf.if %cond3A_265 {
        %add3A_297 = arith.constant 2 : i32
        %add3A_298 = arith.addi %add3A_242, %add3A_297 : i32
        %mul3A_299 = arith.constant 16384 : i32
        %mul3A_300 = arith.muli %add3A_298, %mul3A_299 : i32
        %add3A_301 = arith.addi %mul3A_2, %mul3A_300 : i32
        %dma_start3A_302 = tpu.memref_slice %arg2[%add3A_301] : memref<4194304xf32, #tpu.memory_space<hbm>> -> memref<16384xf32, #tpu.memory_space<hbm>>
        %dma_start3A_303 = tpu.memref_slice %arg2[%add3A_301] : memref<4194304xf32, #tpu.memory_space<hbm>> -> memref<16384xf32, #tpu.memory_space<hbm>>
        tpu.enqueue_dma source(%dma_start3A_303 : memref<16384xf32, #tpu.memory_space<hbm>>) target(%arg9 : memref<16384xf32, #tpu.memory_space<vmem>>) target_semaphore(%arg15 : memref<!tpu.dma_semaphore, #tpu.memory_space<semaphore_mem>>)
        %dma_start3A_304 = tpu.memref_slice %arg3[%add3A_301] : memref<4194304xf32, #tpu.memory_space<hbm>> -> memref<16384xf32, #tpu.memory_space<hbm>>
        %dma_start3A_305 = tpu.memref_slice %arg3[%add3A_301] : memref<4194304xf32, #tpu.memory_space<hbm>> -> memref<16384xf32, #tpu.memory_space<hbm>>
        tpu.enqueue_dma source(%dma_start3A_305 : memref<16384xf32, #tpu.memory_space<hbm>>) target(%arg10 : memref<16384xf32, #tpu.memory_space<vmem>>) target_semaphore(%arg15 : memref<!tpu.dma_semaphore, #tpu.memory_space<semaphore_mem>>)
      } else {
      }
      %mul3A_266 = arith.constant 2 : i32
      %mul3A_267 = arith.muli %mul3A_266, %add3A_238 : i32
      %add3A_268 = arith.constant 1 : i32
      %add3A_269 = arith.addi %mul3A_267, %add3A_268 : i32
      %mul3A_270 = arith.constant 16384 : i32
      %mul3A_271 = arith.muli %add3A_269, %mul3A_270 : i32
      %add3A_272 = arith.addi %mul3A_2, %mul3A_271 : i32
      %dma_wait3A_273 = tpu.memref_slice %arg2[%add3A_272] : memref<4194304xf32, #tpu.memory_space<hbm>> -> memref<16384xf32, #tpu.memory_space<hbm>>
      %dma_wait3A_274 = tpu.memref_slice %arg2[%add3A_272] : memref<4194304xf32, #tpu.memory_space<hbm>> -> memref<16384xf32, #tpu.memory_space<hbm>>
      tpu.wait_dma2 semaphore(%arg16 : memref<!tpu.dma_semaphore, #tpu.memory_space<semaphore_mem>>) src(%dma_wait3A_274 : memref<16384xf32, #tpu.memory_space<hbm>>) dst(%arg12 : memref<16384xf32, #tpu.memory_space<vmem>>)
      %dma_wait3A_275 = tpu.memref_slice %arg3[%add3A_272] : memref<4194304xf32, #tpu.memory_space<hbm>> -> memref<16384xf32, #tpu.memory_space<hbm>>
      %dma_wait3A_276 = tpu.memref_slice %arg3[%add3A_272] : memref<4194304xf32, #tpu.memory_space<hbm>> -> memref<16384xf32, #tpu.memory_space<hbm>>
      tpu.wait_dma2 semaphore(%arg16 : memref<!tpu.dma_semaphore, #tpu.memory_space<semaphore_mem>>) src(%dma_wait3A_276 : memref<16384xf32, #tpu.memory_space<hbm>>) dst(%arg13 : memref<16384xf32, #tpu.memory_space<vmem>>)
      %gt3A_277 = arith.constant 0 : i32
      %gt3A_278 = arith.cmpi sgt, %add3A_238, %gt3A_277 : i32
      %convert_element_type3A_279 = arith.extui %gt3A_278 : i1 to i32
      %cond3A_280 = arith.constant 0 : i32
      %cond3A_281 = arith.cmpi ne, %convert_element_type3A_279, %cond3A_280 : i32
      scf.if %cond3A_281 {
        %sub3A_297 = arith.constant 2 : i32
        %sub3A_298 = arith.subi %add3A_269, %sub3A_297 : i32
        %mul3A_299 = arith.constant 16384 : i32
        %mul3A_300 = arith.muli %sub3A_298, %mul3A_299 : i32
        %add3A_301 = arith.addi %mul3A_2, %mul3A_300 : i32
        %dma_wait3A_302 = tpu.memref_slice %arg6[%add3A_301] : memref<4194304xf32, #tpu.memory_space<hbm>> -> memref<16384xf32, #tpu.memory_space<hbm>>
        %dma_wait3A_303 = tpu.memref_slice %arg6[%add3A_301] : memref<4194304xf32, #tpu.memory_space<hbm>> -> memref<16384xf32, #tpu.memory_space<hbm>>
        tpu.wait_dma2 semaphore(%arg18 : memref<!tpu.dma_semaphore, #tpu.memory_space<semaphore_mem>>) src(%arg14 : memref<16384xf32, #tpu.memory_space<vmem>>) dst(%dma_wait3A_303 : memref<16384xf32, #tpu.memory_space<hbm>>)
      } else {
      }
      %parallel_loop3A_282 = arith.constant 0 : i32
      %parallel_loop3A_283 = arith.constant 16384 : i32
      %parallel_loop3A_284 = arith.constant 16 : i32
      scf.for %parallel_loop3A_297 = %parallel_loop3A_282 to %parallel_loop3A_283 step %parallel_loop3A_284  : i32 {
        %parallel_loop3A_298 = arith.index_cast %parallel_loop3A_297 : i32 to index
        %parallel_loop3A_299 = tpu.vector_load %arg13[%parallel_loop3A_298] {strides = array<i32>} : memref<16384xf32, #tpu.memory_space<vmem>>, vector<16xf32>,
        %parallel_loop3A_300 = vector.shape_cast %parallel_loop3A_299 : vector<16xf32> to vector<16xf32>
        %parallel_loop3A_301 = arith.mulf %parallel_loop3A_300, %div3A_189 : vector<16xf32>
        %parallel_loop3A_302 = arith.index_cast %parallel_loop3A_297 : i32 to index
        %parallel_loop3A_303 = tpu.vector_load %arg12[%parallel_loop3A_302] {strides = array<i32>} : memref<16384xf32, #tpu.memory_space<vmem>>, vector<16xf32>,
        %parallel_loop3A_304 = vector.shape_cast %parallel_loop3A_303 : vector<16xf32> to vector<16xf32>
        %parallel_loop3A_305 = arith.mulf %parallel_loop3A_304, %div3A_190 : vector<16xf32>
        %parallel_loop3A_306 = arith.subf %parallel_loop3A_301, %parallel_loop3A_305 : vector<16xf32>
        %parallel_loop3A_307 = arith.index_cast %parallel_loop3A_297 : i32 to index
        %parallel_loop3A_308 = tpu.vector_load %arg14[%parallel_loop3A_307] {strides = array<i32>} : memref<16384xf32, #tpu.memory_space<vmem>>, vector<16xf32>,
        %parallel_loop3A_309 = vector.shape_cast %parallel_loop3A_308 : vector<16xf32> to vector<16xf32>
        %parallel_loop3A_310 = vector.shape_cast %parallel_loop3A_306 : vector<16xf32> to vector<16xf32>
        tpu.vector_store %arg14[%parallel_loop3A_307], %parallel_loop3A_310 {strides = array<i32>} : memref<16384xf32, #tpu.memory_space<vmem>>, vector<16xf32>,
      } {sc.loop_unroll_factor = 8 : i64, sc.parallel_access}
      %mul3A_285 = arith.constant 16384 : i32
      %mul3A_286 = arith.muli %add3A_269, %mul3A_285 : i32
      %add3A_287 = arith.addi %mul3A_2, %mul3A_286 : i32
      %dma_start3A_288 = tpu.memref_slice %arg6[%add3A_287] : memref<4194304xf32, #tpu.memory_space<hbm>> -> memref<16384xf32, #tpu.memory_space<hbm>>
      %dma_start3A_289 = tpu.memref_slice %arg6[%add3A_287] : memref<4194304xf32, #tpu.memory_space<hbm>> -> memref<16384xf32, #tpu.memory_space<hbm>>
      tpu.enqueue_dma source(%arg14 : memref<16384xf32, #tpu.memory_space<vmem>>) target(%dma_start3A_289 : memref<16384xf32, #tpu.memory_space<hbm>>) target_semaphore(%arg18 : memref<!tpu.dma_semaphore, #tpu.memory_space<semaphore_mem>>)
      %add3A_290 = arith.constant 2 : i32
      %add3A_291 = arith.addi %add3A_269, %add3A_290 : i32
      %lt3A_292 = arith.constant 8 : i32
      %lt3A_293 = arith.cmpi slt, %add3A_291, %lt3A_292 : i32
      %convert_element_type3A_294 = arith.extui %lt3A_293 : i1 to i32
      %cond3A_295 = arith.constant 0 : i32
      %cond3A_296 = arith.cmpi ne, %convert_element_type3A_294, %cond3A_295 : i32
      scf.if %cond3A_296 {
        %add3A_297 = arith.constant 2 : i32
        %add3A_298 = arith.addi %add3A_269, %add3A_297 : i32
        %mul3A_299 = arith.constant 16384 : i32
        %mul3A_300 = arith.muli %add3A_298, %mul3A_299 : i32
        %add3A_301 = arith.addi %mul3A_2, %mul3A_300 : i32
        %dma_start3A_302 = tpu.memref_slice %arg2[%add3A_301] : memref<4194304xf32, #tpu.memory_space<hbm>> -> memref<16384xf32, #tpu.memory_space<hbm>>
        %dma_start3A_303 = tpu.memref_slice %arg2[%add3A_301] : memref<4194304xf32, #tpu.memory_space<hbm>> -> memref<16384xf32, #tpu.memory_space<hbm>>
        tpu.enqueue_dma source(%dma_start3A_303 : memref<16384xf32, #tpu.memory_space<hbm>>) target(%arg12 : memref<16384xf32, #tpu.memory_space<vmem>>) target_semaphore(%arg16 : memref<!tpu.dma_semaphore, #tpu.memory_space<semaphore_mem>>)
        %dma_start3A_304 = tpu.memref_slice %arg3[%add3A_301] : memref<4194304xf32, #tpu.memory_space<hbm>> -> memref<16384xf32, #tpu.memory_space<hbm>>
        %dma_start3A_305 = tpu.memref_slice %arg3[%add3A_301] : memref<4194304xf32, #tpu.memory_space<hbm>> -> memref<16384xf32, #tpu.memory_space<hbm>>
        tpu.enqueue_dma source(%dma_start3A_305 : memref<16384xf32, #tpu.memory_space<hbm>>) target(%arg13 : memref<16384xf32, #tpu.memory_space<vmem>>) target_semaphore(%arg16 : memref<!tpu.dma_semaphore, #tpu.memory_space<semaphore_mem>>)
      } else {
      }
    }
    %mul3A_225 = arith.constant 6 : i32
    %mul3A_226 = arith.constant 16384 : i32
    %mul3A_227 = arith.muli %mul3A_225, %mul3A_226 : i32
    %add3A_228 = arith.addi %mul3A_2, %mul3A_227 : i32
    %dma_wait3A = tpu.memref_slice %arg6[%add3A_228] : memref<4194304xf32, #tpu.memory_space<hbm>> -> memref<16384xf32, #tpu.memory_space<hbm>>
    %dma_wait3A_229 = tpu.memref_slice %arg6[%add3A_228] : memref<4194304xf32, #tpu.memory_space<hbm>> -> memref<16384xf32, #tpu.memory_space<hbm>>
    tpu.wait_dma2 semaphore(%arg17 : memref<!tpu.dma_semaphore, #tpu.memory_space<semaphore_mem>>) src(%arg11 : memref<16384xf32, #tpu.memory_space<vmem>>) dst(%dma_wait3A_229 : memref<16384xf32, #tpu.memory_space<hbm>>)
    %mul3A_230 = arith.constant 7 : i32
    %mul3A_231 = arith.constant 16384 : i32
    %mul3A_232 = arith.muli %mul3A_230, %mul3A_231 : i32
    %add3A_233 = arith.addi %mul3A_2, %mul3A_232 : i32
    %dma_wait3A_234 = tpu.memref_slice %arg6[%add3A_233] : memref<4194304xf32, #tpu.memory_space<hbm>> -> memref<16384xf32, #tpu.memory_space<hbm>>
    %dma_wait3A_235 = tpu.memref_slice %arg6[%add3A_233] : memref<4194304xf32, #tpu.memory_space<hbm>> -> memref<16384xf32, #tpu.memory_space<hbm>>
    tpu.wait_dma2 semaphore(%arg18 : memref<!tpu.dma_semaphore, #tpu.memory_space<semaphore_mem>>) src(%arg14 : memref<16384xf32, #tpu.memory_space<vmem>>) dst(%dma_wait3A_235 : memref<16384xf32, #tpu.memory_space<hbm>>)
    return
  }
}

</mosaic_0001>

<sc_bundles>
// kernel: kernel.3.cloned.1.call-start
scs
__scs_entry_jumppad:
0x0: {  	(pc) =	sbr.rel $0x88, $3  }
0x1: {  	(tag) =	ssettag $0x0;
	lr =	simm.s32 $0x1  }
0x2: {  	[smem:$0x3F9D] =	sst lr;
	_ =	strace $0xD0000000  }
0x3: {  	_ = 	snop  }
0x4: {  	_ = 	snop  }
0x5: {  	_ = 	snop  }
0x6: {  	_ = 	snop  }
0x7: {  	_ = 	snop  }
__scs_overlays_trampoline_lowered:
0x8: {  	[smem:$0x3FAC] =	sst s0  }
0x9: {  	[smem:$0x3FAD] =	sst s1  }
0xa: {  	[smem:$0x3FAE] =	sst s2  }
0xb: {  	[smem:$0x3FAF] =	sst s3  }
0xc: {  	[smem:$0x3FB0] =	sst s4  }
0xd: {  	[smem:$0x3FB1] =	sst s5  }
0xe: {  	[smem:$0x3FB2] =	sst s6  }
0xf: {  	[smem:$0x3FB3] =	sst s7  }
0x10: {  	[smem:$0x3FB4] =	sst s8  }
0x11: {  	[smem:$0x3FB5] =	sst s9;
	s0 =	simm.s32 @!p0 $0x0  }
0x12: {  	s1 =	sld [smem:$0x3F9B];
	s0 =	simm.s32 @p0 $0x1  }
0x13: {  	[smem:$0x3FB6] =	sst s0;
	s0 =	simm.s32 @!p1 $0x0  }
0x14: {  	s2 =	sld [smem:$0x3F9A];
	s0 =	simm.s32 @p1 $0x1  }
0x15: {  	[smem:$0x3FB7] =	sst s0;
	s0 =	simm.s32 @!p2 $0x0  }
0x16: {  	s3 =	sld [smem:$0x3FDB];
	s0 =	simm.s32 @p2 $0x1  }
0x17: {  	s4 =	simm.s32 $0x1BF5;
	[smem:$0x3FB9] =	sst s0  }
0x18: {  	s0 =	sld [smem:$0x3F9C];
	_ =	swait.ge [sflag:s4], $0x0  }
0x19: {  	s7 =	sld [smem:$0x3F9D]  }
0x1a: {  	s8 =	sadd.s32 $0xFFFFE003, lr  }
0x1b: {  	s9 =	sadd.s32 $0xFFFFFEF7, lr;
	s5 =	simm.s32 $0xFFFFFFFF;
	p2 =	slt.u32 s8, $0xFFFFF086  }
0x1c: {  	p1 =	slt.u32 s9, $0xF7A;
	s5 =	simm.s32 @!p2 $0x0  }
0x1d: {  	s5 =	simm.s32 @p1 $0x1;
	p0 =	seq.s32 s7, s2  }
0x1e: {  	s7 =	smul.u32 @!p0 $0xF7A, s2;
	p2 =	seq.s32 @!p0 s5, $0x0  }
0x1f: {  	s9 =	smul.u32 $0xF7A, s1;
	s8 =	simm.s32 @!p0 $0x1BF5;
	p2 =	por !p2, p0  }
0x20: {  	[sflag:s8] =	ssyncset.s32 @!p0 $0xFFFFF086;
	s6 =	sadd.s32 @!p0 s3, s7;
	s7 =	simm.s32 @!p0 $0x108  }
0x21: {  	s3 =	sadd.s32 s3, s9;
	s6 =	sadd.s32 @!p0 $0x88, s6;
	s7 =	simm.s32 @p2 $0x1082  }
0x22: {  	[simem:s7], [sflag:s8] =	dma.local @!p0 [hbm:s6], $0xF7A  }
0x23: {  	s9 =	sor.u32 $0xD0000000, s2;
	s6 =	simm.s32 $0x108;
	_ =	swait.ge @!p0 [sflag:s8], $0x0  }
0x24: {  	s3 =	sadd.s32 $0x88, s3;
	s6 =	simm.s32 @!p1 $0x1082;
	[sflag:s4] =	ssyncset.s32 $0xFFFFF086  }
0x25: {  	[simem:s6], [sflag:s4] =	dma.local [hbm:s3], $0xF7A  }
0x26: {  	[smem:$0x3F9D] =	sst s1;
	(tag) =	ssettag s2;
	_ =	strace s9  }
0x27: {  	s1 =	sld [smem:$0x3FAD]  }
0x28: {  	s2 =	sld [smem:$0x3FAE]  }
0x29: {  	s4 =	sld [smem:$0x3FB0]  }
0x2a: {  	p0 =	seq.s32 s5, $0x0;
	s5 =	sld [smem:$0x3FB1]  }
0x2b: {  	s6 =	sld [smem:$0x3FB2]  }
0x2c: {  	s7 =	sld [smem:$0x3FB3]  }
0x2d: {  	s3 =	simm.s32 $0x108;
	s8 =	sld [smem:$0x3FB4]  }
0x2e: {  	s3 =	simm.s32 @!p0 $0x1082;
	s9 =	sld [smem:$0x3FB5]  }
0x2f: {  	lr =	sadd.s32 s0, s3;
	s0 =	sld [smem:$0x3FAC]  }
0x30: {  	s3 =	sld [smem:$0x3FAF]  }
0x31: {  	[smem:$0x3FB8] =	sst s10  }
0x32: {  	s10 =	sld [smem:$0x3FB6];
	_ =	sdelay $0x3  }
0x33: {  	p0 =	seq.s32 s10, $0x1;
	s10 =	sld [smem:$0x3FB8];
	_ =	sdelay $0x3  }
0x34: {  	[smem:$0x3FB8] =	sst s10  }
0x35: {  	s10 =	sld [smem:$0x3FB7];
	_ =	sdelay $0x3  }
0x36: {  	p1 =	seq.s32 s10, $0x1;
	s10 =	sld [smem:$0x3FB8];
	_ =	sdelay $0x3  }
0x37: {  	[smem:$0x3FB8] =	sst s10  }
0x38: {  	s10 =	sld [smem:$0x3FB9]  }
0x39: {  	_ = 	snop;
	(pc) =	sbr.ind lr, $3  }
0x3a: {  	_ = 	snop  }
0x3b: {  	_ = 	snop  }
0x3c: {  	p2 =	seq.s32 s10, $0x1;
	s10 =	sld [smem:$0x3FB8]  }
0x3d: {  	_ =	shalt  }
0x3e: {  	_ =	shalt  }
0x3f: {  	_ =	shalt  }
0x40: {  	_ =	shalt  }
0x41: {  	_ =	shalt  }
0x42: {  	_ =	shalt  }
0x43: {  	_ =	shalt  }
0x44: {  	_ =	shalt  }
0x45: {  	_ =	shalt  }
0x46: {  	_ =	shalt  }
0x47: {  	_ =	shalt  }
0x48: {  	_ =	shalt  }
0x49: {  	_ =	shalt  }
0x4a: {  	_ =	shalt  }
0x4b: {  	_ =	shalt  }
0x4c: {  	_ =	shalt  }
0x4d: {  	_ =	shalt  }
0x4e: {  	_ =	shalt  }
0x4f: {  	_ =	shalt  }
0x50: {  	_ =	shalt  }
0x51: {  	_ =	shalt  }
0x52: {  	_ =	shalt  }
0x53: {  	_ =	shalt  }
0x54: {  	_ =	shalt  }
0x55: {  	_ =	shalt  }
0x56: {  	_ =	shalt  }
0x57: {  	_ =	shalt  }
0x58: {  	_ =	shalt  }
0x59: {  	_ =	shalt  }
0x5a: {  	_ =	shalt  }
0x5b: {  	_ =	shalt  }
0x5c: {  	_ =	shalt  }
0x5d: {  	_ =	shalt  }
0x5e: {  	_ =	shalt  }
0x5f: {  	_ =	shalt  }
0x60: {  	_ =	shalt  }
0x61: {  	_ =	shalt  }
0x62: {  	_ =	shalt  }
0x63: {  	_ =	shalt  }
0x64: {  	_ =	shalt  }
0x65: {  	_ =	shalt  }
0x66: {  	_ =	shalt  }
0x67: {  	_ =	shalt  }
0x68: {  	_ =	shalt  }
0x69: {  	_ =	shalt  }
0x6a: {  	_ =	shalt  }
0x6b: {  	_ =	shalt  }
0x6c: {  	_ =	shalt  }
0x6d: {  	_ =	shalt  }
0x6e: {  	_ =	shalt  }
0x6f: {  	_ =	shalt  }
0x70: {  	_ =	shalt  }
0x71: {  	_ =	shalt  }
0x72: {  	_ =	shalt  }
0x73: {  	_ =	shalt  }
0x74: {  	_ =	shalt  }
0x75: {  	_ =	shalt  }
0x76: {  	_ =	shalt  }
0x77: {  	_ =	shalt  }
0x78: {  	_ =	shalt  }
0x79: {  	_ =	shalt  }
0x7a: {  	_ =	shalt  }
0x7b: {  	_ =	shalt  }
0x7c: {  	_ =	shalt  }
0x7d: {  	_ =	shalt  }
0x7e: {  	_ =	shalt  }
0x7f: {  	_ =	shalt  }
0x80: {  	_ =	shalt  }
0x81: {  	_ =	shalt  }
0x82: {  	_ =	shalt  }
0x83: {  	_ =	shalt  }
0x84: {  	_ =	shalt  }
0x85: {  	_ =	shalt  }
0x86: {  	_ =	shalt  }
0x87: {  	_ =	shalt  }
.Lfunc_end0:
.L_simem_size_0:
called_computation_lowered:
.L_overlay_start_0:
0x88: {  	s2 =	sld [smem:$0x3FD9]  }
0x89: {  	s3 =	sld [smem:$0x3FFE];
	_ =	sdelay $0x1  }
0x8a: {  	s1 =	srdreg.scid  }
0x8b: {  	s0 =	sand.u32 $0x1, s1  }
0x8c: {  	s17 =	sshll.u32 s0, $0xA;
	s2 =	sadd.s32 s3, s2  }
0x8d: {  	s2 =	sadd.s32 s2, s17  }
0x8e: {  	[smem:$0x3FC4] =	sst s2  }
0x8f: {  	_ = 	snop  }
0x90: {  	s2 =	sld [smem:$0x3FC9]  }
0x91: {  	s18 =	sld [smem:$0x3FC8]  }
0x92: {  	s4 =	sld [smem:$0x3FC6]  }
0x93: {  	s5 =	sld [smem:$0x3FD0];
	(tm) =	ssettm $0x1  }
0x94: {  	s6 =	sld [smem:$0x3FFB];
	_ =	sdelay $0x3  }
0x95: {  	_ =	strace s6  }
0x96: {  	s6 =	sld [smem:$0x3FFC];
	_ =	sdelay $0x3  }
0x97: {  	_ =	strace s6  }
0x98: {  	s6 =	sld [smem:$0x3FFD];
	_ =	sdelay $0x3  }
0x99: {  	_ =	strace s6  }
0x9a: {  	_ =	strace $0x8FFFFFFF  }
0x9b: {  	s19 =	sld [smem:$0x3FDB];
	_ =	sdelay $0x1  }
0x9c: {  	s7 =	simm.s32 $_scs_section_size  }
0x9d: {  	s8 =	simm.s32 $_size__tile_overlayer_lowered;
	s9 =	simm.s32 $_tile_overlayer_lowered  }
0x9e: {  	s22 =	simm.s32 $0x1BFF;
	s21 =	sshll.u32 s9, $0x1;
	s6 =	sadd.s32 s7, s19  }
0x9f: {  	s10 =	simm.s32 $0x0;
	s20 =	sshll.u32 s8, $0x1;
	s8 =	sadd.s32 s21, s6  }
0xa0: {  	[timem:s10], [sflag:s22] =	dma.local [hbm:s8], s20  }
0xa1: {  	_ =	swait.ge [sflag:s22], s20  }
0xa2: {  	s7 =	ssub.s32 $0x0, s20;
	[sflag:s22] =	ssyncset.done $0x0  }
0xa3: {  	[sflag:s22] =	ssyncadd.s32 s7;
	_ =	sdelay $0x1  }
0xa4: {  	s23 =	simm.s32 $0x1B8B  }
0xa5: {  	_ =	swait.ge [sflag:s23], $0x1  }
0xa6: {  	[sflag:s23] =	ssyncset.done $0x0  }
0xa7: {  	s25 =	simm.s32 $0x1B8E;
	s24 =	sld [smem:$0x3FFE];
	[sflag:s23] =	ssyncadd.s32 $0xFFFFFFFF  }
0xa8: {  	s26 =	simm.s32 $execute0_lowered;
	[smem:$0x3FD2] =	sst s25  }
0xa9: {  	s8 =	sshll.u32 s26, $0x1;
	_ =	strace $0x80000046;
	[dreg:$0x1] =	wrdreg $0xFFFFFFFF  }
0xaa: {  	s28 =	simm.s32 $_size_execute0_lowered;
	s6 =	sadd.s32 s6, s8;
	[dreg:$0x0] =	wrdreg $0x0  }
0xab: {  	s8 =	sshll.u32 s28, $0x1;
	[dreg:$0x2] =	wrdreg s6  }
0xac: {  	[dreg:$0x3] =	wrdreg s8  }
0xad: {  	[dreg:$0x4] =	wrdreg $0xC0  }
0xae: {  	_ =	task [dreg:s10], $0x5FFFF  }
0xaf: {  	[dreg:$0x1] =	wrdreg $0xFFFFFFFF  }
0xb0: {  	[dreg:$0x0] =	wrdreg $0x60  }
0xb1: {  	[dreg:$0x2] =	wrdreg s2  }
0xb2: {  	[dreg:$0x3] =	wrdreg s18  }
0xb3: {  	[dreg:$0x4] =	wrdreg s24  }
0xb4: {  	[dreg:$0x5] =	wrdreg s4  }
0xb5: {  	[dreg:$0x6] =	wrdreg s5  }
0xb6: {  	[dreg:$0x7] =	wrdreg $0x9  }
0xb7: {  	_ =	task.clear_ibuf [dreg:s10], $0x8FFFF;
	_ =	strace $0x90000046  }
0xb8: {  	s29 =	simm.s32 $0x9;
	_ =	strace $0x80000048  }
0xb9: {  	_ =	swait.ge [sflag:s29], $0x1  }
0xba: {  	[sflag:s29] =	ssyncadd.s32 $0xFFFFFFFF  }
0xbb: {  	_ =	strace $0x90000048  }
0xbc: {  	_ =	sfence  }
0xbd: {  	s30 =	sld [smem:$0x0];
	_ =	sdelay $0x2  }
0xbe: {  	s31 =	sshll.u32 s1, $0xD;
	s1 =	sshrl.u32 s1, $0x2  }
0xbf: {  	s3 =	sand.u32 $0x4000, s31;
	s1 =	sadd.s32 s1, s30  }
0xc0: {  	s0 =	sor.u32 s3, s0;
	s1 =	sshll.u32 s1, $0x11  }
0xc1: {  	s0 =	sor.u32 s1, s0  }
0xc2: {  	s0 =	sadd.s32 $0x8F2B, s0  }
0xc3: {  	[sflag:s0] =	ssyncadd.remote.s32 $0x1  }
0xc4: {  	_ =	sfence.sel $0xFFFF  }
0xc5: {  	[dreg:$0x0] =	wrdreg $0xFFFFFFFF;
	(pc) =	sbr.abs _section_cstart, $3  }
0xc6: {  	[dreg:$0x1] =	wrdreg $0xFFFFFFFF  }
0xc7: {  	_ =	task.clear_ibuf [dreg:s10], $0x2FFFF;
	_ =	strace $0x9FFFFFFF  }
0xc8: {  	(tm) =	ssettm $0x7FFFFFFF  }
0xc9: {  	_ =	shalt  }
tec
execute0_lowered:
.L_overlay_start_1:
0x0: {  	(tag) =	ssettag $0x1  }
0x1: {  	s0 =	rddreg [dreg:$0x0]  }
0x2: {  	s2 =	rddreg [dreg:$0x1]  }
0x3: {  	s1 =	rddreg [dreg:$0x2];
	s3 =	srdreg.scid  }
0x4: {  	s10 =	stileid.u32;
	s5 =	rddreg [dreg:$0x4];
	s6 =	simm.s32 $0x0  }
0x5: {  	s9 =	simm.s32 $0x1;
	s17 =	simm.s32 $0x5;
	s22 =	simm.s32 $0xC480  }
0x6: {  	s23 =	simm.s32 $0x10480;
	s24 =	simm.s32 $0x8480;
	s25 =	simm.s32 $0x2  }
0x7: {  	s28 =	simm.s32 $0x3;
	s29 =	simm.s32 $0x4;
	s30 =	simm.s32 $0x0  }
0x8: {  	s3 =	sand.u32 $0x1, s3;
	s4 =	sshll.u32 s10, $0x1;
	[smem:$0x7FF] =	sst s6  }
0x9: {  	s7 =	sadd.s32 $0x400, s1;
	s4 =	sor.u32 s3, s4;
	p1 =	seq.s32 s3, $0x1  }
0xa: {  	_ =	strace $0x80000047;
	s3 =	ssub.s32 $0x2, s3;
	p0 =	seq.s32 s4, $0x0  }
0xb: {  	s26 =	sshrl.u32 s3, $0x1;
	s8 =	sshll.u32 s4, $0x11;
	s4 =	sshll.u32 s4, $0xE  }
0xc: {  	p0 =	por !p0, !p1;
	s1 =	ssub.s32 s3, s26;
	s11 =	sadd.s32 s2, s4  }
.Ltmp0:
0xd: {  	s14 =	sor.u32 $0x8000, s8;
	p0 =	por !p0, !p0;
	(pc) =	sbr.rel .LBB2_1-.Ltmp0, $4  }
0xe: {  	s15 =	sor.u32 $0xC000, s8;
	s26 =	simm.s32 $0x14480;
	s9 =	simm.s32 @!p0 $0x0  }
0xf: {  	s16 =	smax.u32 s1, $0x1;
	s31 =	ssub.s32 s10, s9;
	s9 =	simm.s32 $0x1  }
0x10: {  	s10 =	sadd.s32 s0, s4;
	s4 =	sor.u32 $0x800, s4;
	s3 =	sshll.u32 s31, $0x3  }
0x11: {  	s12 =	sadd.s32 s0, s4;
	s13 =	sadd.s32 s2, s4;
	s19 =	sshra.s32 s3, $0x2  }
.LBB2_8:
0x12: {  	s30 =	sadd.s32 $0x1, s30  }
0x13: {  	_ =	swait.ge [sflag:s28], $0x4000;
	p0 =	sne.s32 s30, s16  }
.Ltmp1:
0x14: {  	[sflag:s28] =	ssyncset.done $0x0;
	(pc) =	sbr.rel @!p0 .LBB2_9-.Ltmp1, $4  }
0x15: {  	[sflag:s28] =	ssyncadd.s32 $0xFFFFC000  }
0x16: {  	_ =	swait.ge [sflag:s29], $0x4000  }
0x17: {  	[sflag:s29] =	ssyncset.done $0x0  }
0x18: {  	[sflag:s29] =	ssyncadd.s32 $0xFFFFC000  }
.LBB2_1:
0x19: {  	[tilespmem:s6], [sflag:$0x5] =	stream.linear.gather [hbm4b:s7+s6], $0x80, $0x38;
	[tilespmem:$0x18480] =	vst v63  }
0x1a: {  	_ =	swait.ge [sflag:s17], $0x80  }
0x1b: {  	[sflag:s17] =	ssyncset.done $0x0  }
0x1c: {  	[sflag:s17] =	ssyncadd.s32 $0xFFFFFF80  }
0x1d: {  	s3 =	simm.s32 $0x80;
	s1 =	rddreg [dreg:$0x3]  }
0x1e: {  	[tilespmem:s3], [sflag:$0x5] =	stream.linear.gather [hbm4b:s1+s6], $0x3E8, $0x38;
	[tilespmem:$0x18480] =	vst v63  }
0x1f: {  	_ =	swait.ge [sflag:s17], $0x3E8  }
0x20: {  	[sflag:s17] =	ssyncset.done $0x0  }
0x21: {  	[sflag:s17] =	ssyncadd.s32 $0xFFFFFC18  }
0x22: {  	v0 =	vld [tilespmem:s19+$0x0];
	_ =	sdelay $0x4  }
0x23: {  	(v2sf) =	vpush v0, $0x0  }
0x24: {  	(v2sf) =	vpush v0, $0x1;
	_ =	sdelay $0xd  }
0x25: {  	s4 =	spop (v2sf)  }
0x26: {  	s18 =	spop (v2sf)  }
0x27: {  	s1 =	sor.u32 s18, s4  }
0x28: {  	v0 =	vld.msk [tilespmem:s1+$0x80 ss:$0x0], $0xffff;
	_ =	sdelay $0x4  }
0x29: {  	v1 =	vadd.f32 $1.000000000e+00, v0;
	_ =	sdelay $0x1  }
0x2a: {  	v1 =	vmul.f32 $5.000000000e-01, v1;
	_ =	sdelay $0x1  }
0x2b: {  	(erf) = vrcp.f32 v1;
	_ =	sdelay $0x8  }
0x2c: {  	v2 =	vpop (erf)  }
0x2d: {  	v2 =	vmul.f32 v2, v0;
	_ =	sdelay $0x1  }
0x2e: {  	v1 =	vadd.f32 v2, v1;
	_ =	sdelay $0x1  }
0x2f: {  	v1 =	vmul.f32 $5.000000000e-01, v1;
	_ =	sdelay $0x1  }
0x30: {  	(erf) = vrcp.f32 v1;
	_ =	sdelay $0x8  }
0x31: {  	v2 =	vpop (erf)  }
0x32: {  	v2 =	vmul.f32 v2, v0;
	_ =	sdelay $0x1  }
0x33: {  	v1 =	vadd.f32 v2, v1;
	_ =	sdelay $0x1  }
0x34: {  	v1 =	vmul.f32 $5.000000000e-01, v1;
	_ =	sdelay $0x1  }
0x35: {  	(erf) = vrcp.f32 v1;
	_ =	sdelay $0x8  }
0x36: {  	v2 =	vpop (erf)  }
0x37: {  	v2 =	vmul.f32 v2, v0;
	_ =	sdelay $0x1  }
0x38: {  	v1 =	vadd.f32 v2, v1;
	_ =	sdelay $0x1  }
0x39: {  	v1 =	vmul.f32 $5.000000000e-01, v1;
	_ =	sdelay $0x1  }
0x3a: {  	(erf) = vrcp.f32 v1;
	_ =	sdelay $0x8  }
0x3b: {  	v2 =	vpop (erf)  }
0x3c: {  	v2 =	vmul.f32 v2, v0;
	_ =	sdelay $0x1  }
0x3d: {  	v1 =	vadd.f32 v2, v1;
	_ =	sdelay $0x1  }
0x3e: {  	v1 =	vmul.f32 $5.000000000e-01, v1;
	_ =	sdelay $0x1  }
0x3f: {  	(erf) = vrcp.f32 v1;
	_ =	sdelay $0x8  }
0x40: {  	v2 =	vpop (erf)  }
0x41: {  	v2 =	vmul.f32 v2, v0;
	_ =	sdelay $0x1  }
0x42: {  	v1 =	vadd.f32 v2, v1;
	_ =	sdelay $0x1  }
0x43: {  	v1 =	vmul.f32 $5.000000000e-01, v1;
	_ =	sdelay $0x1  }
0x44: {  	(erf) = vrcp.f32 v1;
	_ =	sdelay $0x8  }
0x45: {  	v2 =	vpop (erf)  }
0x46: {  	v2 =	vmul.f32 v2, v0;
	_ =	sdelay $0x1  }
0x47: {  	v1 =	vadd.f32 v2, v1;
	_ =	sdelay $0x1  }
0x48: {  	v1 =	vmul.f32 $5.000000000e-01, v1;
	_ =	sdelay $0x1  }
0x49: {  	(erf) = vrcp.f32 v1;
	_ =	sdelay $0x8  }
0x4a: {  	v2 =	vpop (erf)  }
0x4b: {  	v2 =	vmul.f32 v2, v0;
	_ =	sdelay $0x1  }
0x4c: {  	v1 =	vadd.f32 v2, v1;
	_ =	sdelay $0x1  }
0x4d: {  	v1 =	vmul.f32 $5.000000000e-01, v1;
	_ =	sdelay $0x1  }
0x4e: {  	(erf) = vrcp.f32 v1;
	_ =	sdelay $0x8  }
0x4f: {  	v2 =	vpop (erf)  }
0x50: {  	v2 =	vmul.f32 v2, v0;
	_ =	sdelay $0x1  }
0x51: {  	v1 =	vadd.f32 v2, v1;
	_ =	sdelay $0x1  }
0x52: {  	v1 =	vmul.f32 $5.000000000e-01, v1;
	_ =	sdelay $0x1  }
0x53: {  	(erf) = vrcp.f32 v1;
	_ =	sdelay $0x8  }
0x54: {  	v2 =	vpop (erf)  }
0x55: {  	v2 =	vmul.f32 v2, v0;
	_ =	sdelay $0x1  }
0x56: {  	v1 =	vadd.f32 v2, v1;
	_ =	sdelay $0x1  }
0x57: {  	v1 =	vmul.f32 $5.000000000e-01, v1;
	_ =	sdelay $0x1  }
0x58: {  	(erf) = vrcp.f32 v1;
	_ =	sdelay $0x8  }
0x59: {  	v2 =	vpop (erf)  }
0x5a: {  	v2 =	vmul.f32 v2, v0;
	_ =	sdelay $0x1  }
0x5b: {  	v1 =	vadd.f32 v2, v1;
	_ =	sdelay $0x1  }
0x5c: {  	v1 =	vmul.f32 $5.000000000e-01, v1;
	_ =	sdelay $0x1  }
0x5d: {  	(erf) = vrcp.f32 v1;
	_ =	sdelay $0x8  }
0x5e: {  	v2 =	vpop (erf)  }
0x5f: {  	v2 =	vmul.f32 v2, v0;
	_ =	sdelay $0x1  }
0x60: {  	v1 =	vadd.f32 v2, v1;
	_ =	sdelay $0x1  }
0x61: {  	v1 =	vmul.f32 $5.000000000e-01, v1;
	_ =	sdelay $0x1  }
0x62: {  	(erf) = vrcp.f32 v1;
	_ =	sdelay $0x8  }
0x63: {  	v2 =	vpop (erf)  }
0x64: {  	v2 =	vmul.f32 v2, v0;
	_ =	sdelay $0x1  }
0x65: {  	v1 =	vadd.f32 v2, v1;
	_ =	sdelay $0x1  }
0x66: {  	v1 =	vmul.f32 $5.000000000e-01, v1;
	_ =	sdelay $0x1  }
0x67: {  	(erf) = vrcp.f32 v1;
	_ =	sdelay $0x8  }
0x68: {  	v2 =	vpop (erf)  }
0x69: {  	v2 =	vmul.f32 v2, v0  }
0x6a: {  	v3 =	vsub.f32 $1.000000000e+00, v0  }
0x6b: {  	v1 =	vadd.f32 v2, v1  }
0x6c: {  	v2 =	vadd.f32 $1.000000000e+00, v3  }
0x6d: {  	v1 =	vmul.f32 $5.000000000e-01, v1  }
0x6e: {  	v2 =	vmul.f32 $5.000000000e-01, v2  }
0x6f: {  	(erf) = vrcp.f32 v1  }
0x70: {  	(erf) = vrcp.f32 v2;
	_ =	sdelay $0x7  }
0x71: {  	v4 =	vpop (erf)  }
0x72: {  	v5 =	vpop (erf)  }
0x73: {  	v5 =	vmul.f32 v5, v3;
	_ =	sdelay $0x1  }
0x74: {  	v2 =	vadd.f32 v5, v2;
	_ =	sdelay $0x1  }
0x75: {  	v2 =	vmul.f32 $5.000000000e-01, v2;
	_ =	sdelay $0x1  }
0x76: {  	(erf) = vrcp.f32 v2;
	_ =	sdelay $0x8  }
0x77: {  	v52 =	vpop (erf)  }
0x78: {  	v5 =	vmul.f32 v52, v3;
	_ =	sdelay $0x1  }
0x79: {  	v2 =	vadd.f32 v5, v2;
	_ =	sdelay $0x1  }
0x7a: {  	v2 =	vmul.f32 $5.000000000e-01, v2;
	_ =	sdelay $0x1  }
0x7b: {  	(erf) = vrcp.f32 v2;
	_ =	sdelay $0x8  }
0x7c: {  	v53 =	vpop (erf)  }
0x7d: {  	v5 =	vmul.f32 v53, v3;
	_ =	sdelay $0x1  }
0x7e: {  	v2 =	vadd.f32 v5, v2;
	_ =	sdelay $0x1  }
0x7f: {  	v2 =	vmul.f32 $5.000000000e-01, v2;
	_ =	sdelay $0x1  }
0x80: {  	(erf) = vrcp.f32 v2;
	_ =	sdelay $0x8  }
0x81: {  	v54 =	vpop (erf)  }
0x82: {  	v5 =	vmul.f32 v54, v3;
	_ =	sdelay $0x1  }
0x83: {  	v2 =	vadd.f32 v5, v2;
	_ =	sdelay $0x1  }
0x84: {  	v2 =	vmul.f32 $5.000000000e-01, v2;
	_ =	sdelay $0x1  }
0x85: {  	(erf) = vrcp.f32 v2;
	_ =	sdelay $0x8  }
0x86: {  	v55 =	vpop (erf)  }
0x87: {  	v5 =	vmul.f32 v55, v3;
	_ =	sdelay $0x1  }
0x88: {  	v2 =	vadd.f32 v5, v2;
	_ =	sdelay $0x1  }
0x89: {  	v2 =	vmul.f32 $5.000000000e-01, v2;
	_ =	sdelay $0x1  }
0x8a: {  	(erf) = vrcp.f32 v2;
	_ =	sdelay $0x8  }
0x8b: {  	v56 =	vpop (erf)  }
0x8c: {  	v5 =	vmul.f32 v56, v3;
	_ =	sdelay $0x1  }
0x8d: {  	v2 =	vadd.f32 v5, v2;
	_ =	sdelay $0x1  }
0x8e: {  	v2 =	vmul.f32 $5.000000000e-01, v2;
	_ =	sdelay $0x1  }
0x8f: {  	(erf) = vrcp.f32 v2;
	_ =	sdelay $0x8  }
0x90: {  	v57 =	vpop (erf)  }
0x91: {  	v5 =	vmul.f32 v57, v3;
	_ =	sdelay $0x1  }
0x92: {  	v2 =	vadd.f32 v5, v2;
	_ =	sdelay $0x1  }
0x93: {  	v2 =	vmul.f32 $5.000000000e-01, v2;
	_ =	sdelay $0x1  }
0x94: {  	(erf) = vrcp.f32 v2;
	_ =	sdelay $0x8  }
0x95: {  	v58 =	vpop (erf)  }
0x96: {  	v5 =	vmul.f32 v58, v3;
	_ =	sdelay $0x1  }
0x97: {  	v2 =	vadd.f32 v5, v2;
	_ =	sdelay $0x1  }
0x98: {  	v2 =	vmul.f32 $5.000000000e-01, v2;
	_ =	sdelay $0x1  }
0x99: {  	(erf) = vrcp.f32 v2;
	_ =	sdelay $0x8  }
0x9a: {  	v59 =	vpop (erf)  }
0x9b: {  	v5 =	vmul.f32 v59, v3;
	_ =	sdelay $0x1  }
0x9c: {  	v2 =	vadd.f32 v5, v2;
	_ =	sdelay $0x1  }
0x9d: {  	v2 =	vmul.f32 $5.000000000e-01, v2;
	_ =	sdelay $0x1  }
0x9e: {  	(erf) = vrcp.f32 v2;
	_ =	sdelay $0x8  }
0x9f: {  	v60 =	vpop (erf)  }
0xa0: {  	v5 =	vmul.f32 v60, v3;
	_ =	sdelay $0x1  }
0xa1: {  	v2 =	vadd.f32 v5, v2;
	_ =	sdelay $0x1  }
0xa2: {  	v2 =	vmul.f32 $5.000000000e-01, v2;
	_ =	sdelay $0x1  }
0xa3: {  	(erf) = vrcp.f32 v2;
	_ =	sdelay $0x8  }
0xa4: {  	v61 =	vpop (erf)  }
0xa5: {  	v5 =	vmul.f32 v61, v3;
	_ =	sdelay $0x1  }
0xa6: {  	v2 =	vadd.f32 v5, v2;
	_ =	sdelay $0x1  }
0xa7: {  	v2 =	vmul.f32 $5.000000000e-01, v2;
	_ =	sdelay $0x1  }
0xa8: {  	(erf) = vrcp.f32 v2;
	_ =	sdelay $0x8  }
0xa9: {  	v62 =	vpop (erf)  }
0xaa: {  	v5 =	vmul.f32 v62, v3;
	_ =	sdelay $0x1  }
0xab: {  	v2 =	vadd.f32 v5, v2;
	_ =	sdelay $0x1  }
0xac: {  	v2 =	vmul.f32 $5.000000000e-01, v2;
	_ =	sdelay $0x1  }
0xad: {  	(erf) = vrcp.f32 v2;
	_ =	sdelay $0x8  }
0xae: {  	v63 =	vpop (erf)  }
0xaf: {  	v5 =	vmul.f32 v63, v3;
	_ =	sdelay $0x1  }
0xb0: {  	v2 =	vadd.f32 v5, v2;
	_ =	sdelay $0x1  }
0xb1: {  	v2 =	vmul.f32 $5.000000000e-01, v2;
	_ =	sdelay $0x1  }
0xb2: {  	(erf) = vrcp.f32 v2  }
0xb3: {  	v0 =	vmul.f32 v4, v0;
	_ =	sdelay $0x1  }
0xb4: {  	v0 =	vadd.f32 v0, v1;
	_ =	sdelay $0x1  }
0xb5: {  	v0 =	vmul.f32 $5.000000000e-01, v0;
	_ =	sdelay $0x1  }
0xb6: {  	(erf) = vrcp.f32 v0;
	_ =	sdelay $0x1  }
0xb7: {  	v0 =	vpop (erf)  }
0xb8: {  	s20 =	simm.s32 $0x480;
	v0 =	vmul.f32 v0, v3  }
0xb9: {  	[tilespmem:s20], [sflag:$0x1] =	stream.linear.gather [hbm4b:s10+s6], $0x4000, $0x38;
	[tilespmem:$0x18480] =	vst v63  }
0xba: {  	s21 =	simm.s32 $0x4480;
	v0 =	vadd.f32 v0, v2  }
0xbb: {  	[tilespmem:s21], [sflag:$0x1] =	stream.linear.gather [hbm4b:s11+s6], $0x4000, $0x38;
	[tilespmem:$0x18480] =	vst v63  }
0xbc: {  	_ = 	snop  }
0xbd: {  	[tilespmem:s22], [sflag:$0x2] =	stream.linear.gather [hbm4b:s12+s6], $0x4000, $0x38;
	v1 =	vmul.f32 $5.000000000e-01, v0;
	[tilespmem:$0x18480] =	vst v63  }
0xbe: {  	s31 =	simm.s32 $0x0;
	v0 =	vpop (erf)  }
0xbf: {  	[tilespmem:s23], [sflag:$0x2] =	stream.linear.gather [hbm4b:s13+s6], $0x4000, $0x38;
	v1 =	vmul.f32 v0, v1;
	[tilespmem:$0x18480] =	vst v63  }
.LBB2_2:
0xc0: {  	_ =	swait.ge [sflag:s9], $0x4000  }
0xc1: {  	[sflag:s9] =	ssyncset.done $0x0  }
0xc2: {  	[sflag:s9] =	ssyncadd.s32 $0xFFFFC000  }
0xc3: {  	_ =	swait.ge [sflag:s9], $0x4000  }
0xc4: {  	p0 =	seq.s32 s31, $0x0;
	[sflag:s9] =	ssyncset.done $0x0  }
0xc5: {  	s1 =	simm.s32 @!p0 $0x3;
	[sflag:s9] =	ssyncadd.s32 $0xFFFFC000  }
0xc6: {  	_ =	swait.ge @!p0 [sflag:s1], $0x4000  }
0xc7: {  	[sflag:s1] =	ssyncset.done @!p0 $0x0  }
0xc8: {  	s21 =	simm.s32 $0x44C0;
	[sflag:s1] =	ssyncadd.s32 @!p0 $0xFFFFC000  }
0xc9: {  	s1 =	simm.s32 $0x4C0;
	v2 =	vld [tilespmem:s21+$0x30]  }
0xca: {  	v3 =	vld [tilespmem:s1+$0x30]  }
0xcb: {  	v6 =	vld [tilespmem:s1+$0xFFFFFFC0]  }
0xcc: {  	v4 =	vld [tilespmem:s21+$0xFFFFFFD0]  }
0xcd: {  	v5 =	vld [tilespmem:s1+$0xFFFFFFD0]  }
0xce: {  	v7 =	vld [tilespmem:s21+$0xFFFFFFE0]  }
0xcf: {  	v8 =	vld [tilespmem:s1+$0xFFFFFFE0]  }
0xd0: {  	v9 =	vld [tilespmem:s21+$0xFFFFFFF0]  }
0xd1: {  	v10 =	vld [tilespmem:s1+$0xFFFFFFF0]  }
0xd2: {  	v11 =	vld [tilespmem:s21+$0x0];
	v2 =	vmul.f32 v2, v0;
	v3 =	vmul.f32 v3, v1  }
0xd3: {  	v13 =	vld [tilespmem:s1+$0x0];
	v12 =	vmul.f32 v4, v0;
	v5 =	vmul.f32 v5, v1  }
0xd4: {  	v7 =	vmul.f32 v7, v0;
	v8 =	vmul.f32 v8, v1;
	v4 =	vld [tilespmem:s21+$0x10];
	v2 =	vsub.f32 v2, v3  }
0xd5: {  	s4 =	simm.s32 $0x84C0;
	v12 =	vsub.f32 v12, v5;
	v3 =	vld [tilespmem:s1+$0x10]  }
0xd6: {  	v9 =	vmul.f32 v9, v0;
	v10 =	vmul.f32 v10, v1;
	v14 =	vsub.f32 v7, v8;
	v5 =	vld [tilespmem:s21+$0x20];
	[tilespmem:s4+$0x30] =	vst v2  }
0xd7: {  	s3 =	sshll.u32 s31, $0xF;
	v2 =	vmul.f32 v6, v1;
	[tilespmem:s4+$0xFFFFFFD0] =	vst v12;
	v6 =	vld [tilespmem:s1+$0x20]  }
0xd8: {  	s20 =	simm.s32 $0x0;
	s18 =	sor.u32 s8, s3;
	v8 =	vmul.f32 v11, v0;
	v7 =	vld [tilespmem:s21+$0xFFFFFFC0];
	v9 =	vsub.f32 v9, v10;
	v10 =	vmul.f32 v13, v1;
	s21 =	simm.s32 $0x4540;
	[tilespmem:s4+$0xFFFFFFE0] =	vst v14  }
.LBB2_3:
0xd9: {  	v11 =	vld [tilespmem:s21+$0x30];
	v4 =	vmul.f32 v4, v0;
	s1 =	sadd.s32 $0x80, s1  }
0xda: {  	s20 =	sadd.s32 $0x80, s20;
	v12 =	vld [tilespmem:s1+$0x30];
	[tilespmem:s4+$0xFFFFFFF0] =	vst v9;
	v8 =	vsub.f32 v8, v10;
	v3 =	vmul.f32 v3, v1  }
0xdb: {  	p1 =	slt.u32 s20, $0x3F80;
	v9 =	vld [tilespmem:s1+$0xFFFFFFC0];
	v5 =	vmul.f32 v5, v0  }
0xdc: {  	v10 =	vld [tilespmem:s21+$0xFFFFFFD0];
	[tilespmem:s4+$0x0] =	vst v8;
	v3 =	vsub.f32 v4, v3;
	v4 =	vmul.f32 v6, v1  }
0xdd: {  	v6 =	vld [tilespmem:s1+$0xFFFFFFD0];
	v7 =	vmul.f32 v7, v0  }
0xde: {  	v8 =	vld [tilespmem:s21+$0xFFFFFFE0];
	[tilespmem:s4+$0x10] =	vst v3;
	v3 =	vsub.f32 v5, v4  }
0xdf: {  	v5 =	vmul.f32 v11, v0;
	v4 =	vld [tilespmem:s1+$0xFFFFFFE0];
	v11 =	vmul.f32 v12, v1;
	v7 =	vsub.f32 v7, v2  }
0xe0: {  	v2 =	vmul.f32 v9, v1;
	v9 =	vld [tilespmem:s21+$0xFFFFFFF0];
	[tilespmem:s4+$0x20] =	vst v3  }
0xe1: {  	v3 =	vmul.f32 v10, v0;
	v10 =	vld [tilespmem:s1+$0xFFFFFFF0];
	v5 =	vsub.f32 v5, v11;
	[tilespmem:s4+$0xFFFFFFC0] =	vst v7  }
0xe2: {  	s4 =	sadd.s32 $0x80, s4;
	v6 =	vmul.f32 v6, v1;
	v7 =	vld [tilespmem:s21+$0x0]  }
0xe3: {  	v8 =	vmul.f32 v8, v0;
	v11 =	vld [tilespmem:s1+$0x0];
	[tilespmem:s4+$0x30] =	vst v5  }
.Ltmp2:
0xe4: {  	v5 =	vsub.f32 v3, v6;
	v6 =	vmul.f32 v4, v1;
	v4 =	vld [tilespmem:s21+$0x10];
	(pc) =	sbr.rel @p1 .LBB2_3-.Ltmp2, $4  }
0xe5: {  	v9 =	vmul.f32 v9, v0;
	v3 =	vld [tilespmem:s1+$0x10]  }
0xe6: {  	[tilespmem:s4+$0xFFFFFFD0] =	vst v5;
	v12 =	vsub.f32 v8, v6;
	v10 =	vmul.f32 v10, v1;
	v5 =	vld [tilespmem:s21+$0x20]  }
0xe7: {  	v8 =	vmul.f32 v7, v0;
	v6 =	vld [tilespmem:s1+$0x20]  }
0xe8: {  	v7 =	vld [tilespmem:s21+$0xFFFFFFC0];
	[tilespmem:s4+$0xFFFFFFE0] =	vst v12;
	v9 =	vsub.f32 v9, v10;
	v10 =	vmul.f32 v11, v1;
	s21 =	sadd.s32 $0x80, s21  }
0xe9: {  	_ =	sdelay $0x1  }
0xea: {  	v4 =	vmul.f32 v4, v0;
	v3 =	vmul.f32 v3, v1  }
0xeb: {  	v8 =	vsub.f32 v8, v10;
	v5 =	vmul.f32 v5, v0;
	v6 =	vmul.f32 v6, v1  }
0xec: {  	[tilespmem:s4+$0xFFFFFFF0] =	vst v9;
	v3 =	vsub.f32 v4, v3;
	v4 =	vmul.f32 v7, v0  }
0xed: {  	[tilespmem:s4+$0x0] =	vst v8;
	v5 =	vsub.f32 v5, v6  }
0xee: {  	[tilespmem:s4+$0x10] =	vst v3;
	v2 =	vsub.f32 v4, v2  }
0xef: {  	s1 =	sshrl.u32 s18, $0x3;
	p1 =	seq.s32 s31, $0x3;
	[tilespmem:s4+$0x20] =	vst v5  }
0xf0: {  	s21 =	sadd.s32 s5, s1;
	[tilespmem:s4+$0xFFFFFFC0] =	vst v2;
	s4 =	sadd.s32 @!p1 s3, s14  }
0xf1: {  	[hbm4b:s21+s6] =	stream.linear.scatter [tilespmem:s24], [sflag:$0x3], $0x4000, $0x38;
	[tilespmem:$0x18480] =	vst v63  }
0xf2: {  	s4 =	sshrl.u32 @!p1 s4, $0x3  }
0xf3: {  	s20 =	simm.s32 @!p1 $0x0;
	s21 =	simm.s32 @!p1 $0x480;
	s18 =	sadd.s32 @!p1 s0, s4  }
0xf4: {  	[tilespmem:s21], [sflag:$0x1] =	stream.linear.gather @!p1 [hbm4b:s18+s20], $0x4000, $0x38;
	[tilespmem:$0x18480] =	vst v63  }
0xf5: {  	s4 =	sadd.s32 @!p1 s2, s4;
	s18 =	simm.s32 @!p1 $0x4480  }
0xf6: {  	[tilespmem:s18], [sflag:$0x1] =	stream.linear.gather @!p1 [hbm4b:s4+s20], $0x4000, $0x38;
	[tilespmem:$0x18480] =	vst v63  }
0xf7: {  	_ =	swait.ge [sflag:s25], $0x4000  }
0xf8: {  	[sflag:s25] =	ssyncset.done $0x0  }
0xf9: {  	[sflag:s25] =	ssyncadd.s32 $0xFFFFC000  }
0xfa: {  	_ =	swait.ge [sflag:s25], $0x4000  }
0xfb: {  	[sflag:s25] =	ssyncset.done $0x0  }
0xfc: {  	s4 =	simm.s32 @!p0 $0x4;
	[sflag:s25] =	ssyncadd.s32 $0xFFFFC000  }
0xfd: {  	_ =	swait.ge @!p0 [sflag:s4], $0x4000  }
0xfe: {  	[sflag:s4] =	ssyncset.done @!p0 $0x0  }
0xff: {  	s21 =	simm.s32 $0x104C0;
	[sflag:s4] =	ssyncadd.s32 @!p0 $0xFFFFC000  }
0x100: {  	s4 =	simm.s32 $0xC4C0;
	v2 =	vld [tilespmem:s21+$0x30]  }
0x101: {  	v3 =	vld [tilespmem:s4+$0x30]  }
0x102: {  	v5 =	vld [tilespmem:s4+$0xFFFFFFC0]  }
0x103: {  	v4 =	vld [tilespmem:s21+$0xFFFFFFD0]  }
0x104: {  	v6 =	vld [tilespmem:s4+$0xFFFFFFD0]  }
0x105: {  	v7 =	vld [tilespmem:s21+$0xFFFFFFE0]  }
0x106: {  	v8 =	vld [tilespmem:s4+$0xFFFFFFE0]  }
0x107: {  	v9 =	vld [tilespmem:s21+$0xFFFFFFF0]  }
0x108: {  	v10 =	vld [tilespmem:s4+$0xFFFFFFF0]  }
0x109: {  	v11 =	vld [tilespmem:s21+$0x0];
	v2 =	vmul.f32 v2, v0;
	v3 =	vmul.f32 v3, v1  }
0x10a: {  	v13 =	vld [tilespmem:s4+$0x0];
	v12 =	vmul.f32 v4, v0;
	v6 =	vmul.f32 v6, v1  }
0x10b: {  	v7 =	vmul.f32 v7, v0;
	v8 =	vmul.f32 v8, v1;
	v4 =	vld [tilespmem:s21+$0x10];
	v2 =	vsub.f32 v2, v3  }
0x10c: {  	s18 =	simm.s32 $0x144C0;
	v12 =	vsub.f32 v12, v6;
	v3 =	vld [tilespmem:s4+$0x10]  }
0x10d: {  	v9 =	vmul.f32 v9, v0;
	v10 =	vmul.f32 v10, v1;
	v14 =	vsub.f32 v7, v8;
	v6 =	vld [tilespmem:s21+$0x20];
	[tilespmem:s18+$0x30] =	vst v2  }
0x10e: {  	v7 =	vld [tilespmem:s4+$0x20];
	v8 =	vmul.f32 v11, v0;
	[tilespmem:s18+$0xFFFFFFD0] =	vst v12  }
0x10f: {  	s20 =	simm.s32 $0x0;
	v9 =	vsub.f32 v9, v10;
	v10 =	vmul.f32 v13, v1;
	v2 =	vmul.f32 v5, v1;
	v5 =	vld [tilespmem:s21+$0xFFFFFFC0];
	[tilespmem:s18+$0xFFFFFFE0] =	vst v14;
	s21 =	simm.s32 $0x10540  }
.LBB2_5:
0x110: {  	v11 =	vld [tilespmem:s21+$0x30];
	v4 =	vmul.f32 v4, v0;
	s4 =	sadd.s32 $0x80, s4  }
0x111: {  	s20 =	sadd.s32 $0x80, s20;
	v12 =	vld [tilespmem:s4+$0x30];
	[tilespmem:s18+$0xFFFFFFF0] =	vst v9;
	v8 =	vsub.f32 v8, v10;
	v3 =	vmul.f32 v3, v1  }
0x112: {  	p0 =	slt.u32 s20, $0x3F80;
	v9 =	vld [tilespmem:s4+$0xFFFFFFC0];
	v6 =	vmul.f32 v6, v0  }
0x113: {  	v10 =	vld [tilespmem:s21+$0xFFFFFFD0];
	[tilespmem:s18+$0x0] =	vst v8;
	v3 =	vsub.f32 v4, v3;
	v4 =	vmul.f32 v7, v1  }
0x114: {  	v7 =	vld [tilespmem:s4+$0xFFFFFFD0];
	v5 =	vmul.f32 v5, v0  }
0x115: {  	v8 =	vld [tilespmem:s21+$0xFFFFFFE0];
	[tilespmem:s18+$0x10] =	vst v3;
	v3 =	vsub.f32 v6, v4  }
0x116: {  	v6 =	vmul.f32 v11, v0;
	v4 =	vld [tilespmem:s4+$0xFFFFFFE0];
	v11 =	vmul.f32 v12, v1;
	v5 =	vsub.f32 v5, v2  }
0x117: {  	v2 =	vmul.f32 v9, v1;
	v9 =	vld [tilespmem:s21+$0xFFFFFFF0];
	[tilespmem:s18+$0x20] =	vst v3  }
0x118: {  	v3 =	vmul.f32 v10, v0;
	v10 =	vld [tilespmem:s4+$0xFFFFFFF0];
	v6 =	vsub.f32 v6, v11;
	[tilespmem:s18+$0xFFFFFFC0] =	vst v5  }
0x119: {  	s18 =	sadd.s32 $0x80, s18;
	v5 =	vmul.f32 v7, v1;
	v7 =	vld [tilespmem:s21+$0x0]  }
0x11a: {  	v8 =	vmul.f32 v8, v0;
	v11 =	vld [tilespmem:s4+$0x0];
	[tilespmem:s18+$0x30] =	vst v6  }
.Ltmp3:
0x11b: {  	v5 =	vsub.f32 v3, v5;
	v6 =	vmul.f32 v4, v1;
	v4 =	vld [tilespmem:s21+$0x10];
	(pc) =	sbr.rel @p0 .LBB2_5-.Ltmp3, $4  }
0x11c: {  	v9 =	vmul.f32 v9, v0;
	v3 =	vld [tilespmem:s4+$0x10]  }
0x11d: {  	[tilespmem:s18+$0xFFFFFFD0] =	vst v5;
	v12 =	vsub.f32 v8, v6;
	v10 =	vmul.f32 v10, v1;
	v6 =	vld [tilespmem:s21+$0x20]  }
0x11e: {  	v8 =	vmul.f32 v7, v0;
	v7 =	vld [tilespmem:s4+$0x20]  }
0x11f: {  	v5 =	vld [tilespmem:s21+$0xFFFFFFC0];
	[tilespmem:s18+$0xFFFFFFE0] =	vst v12;
	v9 =	vsub.f32 v9, v10;
	v10 =	vmul.f32 v11, v1;
	s21 =	sadd.s32 $0x80, s21  }
0x120: {  	_ =	sdelay $0x1  }
0x121: {  	v4 =	vmul.f32 v4, v0;
	v3 =	vmul.f32 v3, v1  }
0x122: {  	v8 =	vsub.f32 v8, v10;
	v6 =	vmul.f32 v6, v0;
	v7 =	vmul.f32 v7, v1  }
0x123: {  	[tilespmem:s18+$0xFFFFFFF0] =	vst v9;
	v3 =	vsub.f32 v4, v3;
	v62 =	vmul.f32 v5, v0  }
.Ltmp4:
0x124: {  	[tilespmem:s18+$0x0] =	vst v8;
	v63 =	vsub.f32 v6, v7;
	(pc) =	sbr.rel @p1 .LBB2_8-.Ltmp4, $4  }
0x125: {  	[tilespmem:s18+$0x10] =	vst v3;
	v2 =	vsub.f32 v62, v2  }
0x126: {  	s1 =	sadd.s32 s1, s5;
	[tilespmem:s18+$0x20] =	vst v63  }
0x127: {  	s1 =	sadd.s32 $0x800, s1;
	[tilespmem:s18+$0xFFFFFFC0] =	vst v2  }
0x128: {  	[hbm4b:s1+s6] =	stream.linear.scatter [tilespmem:s26], [sflag:$0x4], $0x4000, $0x38;
	[tilespmem:$0x18480] =	vst v63  }
0x129: {  	s1 =	sadd.s32 s3, s15  }
.Ltmp5:
0x12a: {  	s1 =	sshrl.u32 s1, $0x3;
	(pc) =	sbr.rel .LBB2_2-.Ltmp5, $4  }
0x12b: {  	s21 =	sadd.s32 s0, s1  }
0x12c: {  	[tilespmem:s22], [sflag:$0x2] =	stream.linear.gather [hbm4b:s21+s6], $0x4000, $0x38;
	[tilespmem:$0x18480] =	vst v63  }
0x12d: {  	s31 =	sadd.s32 $0x1, s31;
	s1 =	sadd.s32 s2, s1  }
0x12e: {  	[tilespmem:s23], [sflag:$0x2] =	stream.linear.gather [hbm4b:s1+s6], $0x4000, $0x38;
	[tilespmem:$0x18480] =	vst v63  }
.LBB2_9:
0x12f: {  	_ =	sfence.sel $0x180000  }
0x130: {  	[bflag:$0x0] =	sbarrier.arrive $0xFFFF  }
0x131: {  	_ =	strace $0x90000047  }
0x132: {  	s0 =	stileid.u32;
	[bflag:$0x2] =	sbarrier.arrive $0xFFFF  }
0x133: {  	p0 =	sne.s32 s0, $0x0;
	s0 =	rddreg [dreg:$0x5]  }
0x134: {  	s0 =	sadd.s32 @!p0 $0x100000, s0  }
0x135: {  	[sflag:s0] =	ssyncadd.tile.s32 @!p0 $0x1;
	_ =	shalt  }
.Lfunc_end2:
_tile_overlayer_lowered:
.L_overlay_start_2:
0x136: {  	(tag) =	ssettag $0x2  }
0x137: {  	s0 =	rddreg [dreg:$0x0];
	s2 =	stileid.u32  }
0x138: {  	s1 =	rddreg [dreg:$0x1];
	p0 =	sne.s32 s2, $0x0  }
0x139: {  	s3 =	rddreg [dreg:$0x2];
	[bflag:$0x3] =	sbarrier.arrive $0xFFFF;
	s2 =	simm.s32 @!p0 $0x1C05  }
0x13a: {  	[timem:s3], [sflag:s2] =	dma.local @!p0 [hbm:s0], s1  }
0x13b: {  	s0 =	simm.s32 @!p0 $0x5  }
0x13c: {  	_ =	swait.ge @!p0 [sflag:s0], s1  }
0x13d: {  	s1 =	ssub.s32 @!p0 $0x0, s1;
	[sflag:s0] =	ssyncset.done @!p0 $0x0  }
0x13e: {  	[sflag:s0] =	ssyncadd.s32 @!p0 s1  }
0x13f: {  	[bflag:$0x3] =	sbarrier.arrive $0xFFFF  }
0x140: {  	_ =	shalt  }

</sc_bundles>
